<compile_context>
chip_gen: v7x
topology: tpu7x:2x2x1
jax: 0.10.2.dev20260603
libtpu: 0.0.44.dev20260713+nightly
codegen_flags: <defaults>
</compile_context>

<pallas_src>
import functools

import jax
import jax.numpy as jnp
import numpy as np
from jax import lax
from jax.experimental import pallas as pl
from jax.experimental.pallas import tpu as pltpu
from jax.experimental.pallas import tpu_sc as plsc

BF16 = jnp.bfloat16



def _conv_body(*args, KD, KH, KW, Wp, M, W_out, act, pad_out, phase_grid):
    xr, wr, br, outr = args
    if phase_grid:
        pz = pl.program_id(1)
        d = pl.program_id(2)
    else:
        d = pl.program_id(1)
    base = d - 1 if pad_out else d

    def compute():
        pieces = []
        for kd in range(KD):
            dz = base + kd + (pz if phase_grid else 0)
            for kh in range(KH):
                for kw in range(KW):
                    pieces.append(xr[0, dz, pl.ds(kh * Wp + kw, M), :])
        patch = jnp.concatenate(pieces, axis=-1)
        y = jnp.dot(patch, wr[0] if phase_grid else wr[...],
                    preferred_element_type=jnp.float32)
        y = y + br[...]
        if act == "relu":
            y = jnp.maximum(y, 0.0)
        elif act == "sigmoid":
            y = jax.nn.sigmoid(y)
        return y

    if not pad_out:
        outr[0, 0] = compute().astype(outr.dtype)
        return

    D_in = pl.num_programs(2 if phase_grid else 1) - 2
    interior = (d >= 1) & (d <= D_in)
    R = outr.shape[2]
    Cout = outr.shape[3]

    @pl.when(interior)
    def _():
        y = compute()
        col = lax.broadcasted_iota(jnp.int32, (M, 1), 0) % Wp
        y = jnp.where(col < W_out, y, 0.0).astype(outr.dtype)
        outr[0, 0, : Wp + 1, :] = jnp.zeros((Wp + 1, Cout), outr.dtype)
        outr[0, 0, pl.ds(Wp + 1, M), :] = y
        outr[0, 0, pl.ds(Wp + 1 + M, R - Wp - 1 - M), :] = jnp.zeros(
            (R - Wp - 1 - M, Cout), outr.dtype)

    @pl.when(~interior)
    def _():
        outr[0, 0] = jnp.zeros((R, Cout), outr.dtype)


def _conv_stage(xp, wmat, bias, *, KD, KH, KW, Wp, H_out, W_out, D_out, act,
                pad_out, out_dtype=BF16, phase_grid=False):
    xp = xp.astype(BF16)
    wmat = wmat.astype(BF16)
    N, Dp, HWpad, Cin = xp.shape
    Cout = wmat.shape[-1]
    M = H_out * Wp
    body = functools.partial(_conv_body, KD=KD, KH=KH, KW=KW, Wp=Wp, M=M,
                             W_out=W_out, act=act, pad_out=pad_out,
                             phase_grid=phase_grid)
    if pad_out:
        assert Wp == W_out + 2
        R = (H_out + 2) * Wp + 8
        out_shape = jax.ShapeDtypeStruct(
            (N, D_out + 2, R, Cout * (2 if phase_grid else 1)), out_dtype)
        grid = (N, 2, D_out + 2) if phase_grid else (N, D_out + 2)
    else:
        out_shape = jax.ShapeDtypeStruct((N, D_out, M, Cout), out_dtype)
        grid = (N, D_out)

    if phase_grid:
        in_specs = [
            pl.BlockSpec((1, Dp, HWpad, Cin), lambda n, z, d: (n, 0, 0, 0)),
            pl.BlockSpec((1,) + wmat.shape[1:], lambda n, z, d: (z, 0, 0)),
            pl.BlockSpec((1, Cout), lambda n, z, d: (0, 0)),
        ]
        out_specs = pl.BlockSpec((1, 1, R, Cout), lambda n, z, d: (n, d, 0, z))
    else:
        in_specs = [
            pl.BlockSpec((1, Dp, HWpad, Cin), lambda n, d: (n, 0, 0, 0)),
            pl.BlockSpec(wmat.shape, lambda n, d: (0, 0)),
            pl.BlockSpec((1, Cout), lambda n, d: (0, 0)),
        ]
        if pad_out:
            out_specs = pl.BlockSpec((1, 1, R, Cout), lambda n, d: (n, d, 0, 0))
        else:
            out_specs = pl.BlockSpec((1, 1, M, Cout), lambda n, d: (n, d, 0, 0))
    return pl.pallas_call(
        body, grid=grid, in_specs=in_specs, out_specs=out_specs,
        out_shape=out_shape,
    )(xp, wmat, bias)


def _bn_fold(w_mat, conv_b, g, b, m, v, eps=1e-5):
    s = g / jnp.sqrt(v + eps)
    return w_mat * s[None, :], ((conv_b - m) * s + b)[None, :]



def _vq_body(zr, er, e2r, idxr, cntr, csumr, perpr, *, R, K, TOT, D, Wp,
             W_out):
    i = pl.program_id(0)
    z = zr[0]
    scores = jnp.dot(z, er[...], preferred_element_type=jnp.float32)
    z2 = jnp.sum(z * z, axis=1)
    t = (z2[:, None] + e2r[...]) - 2.0 * scores
    idx = jnp.argmin(t, axis=1).astype(jnp.int32)
    valid = (lax.broadcasted_iota(jnp.int32, (R,), 0) % Wp) < W_out
    idx = jnp.where(valid, idx, K)
    csum = jnp.sum(jnp.where(valid, jnp.min(t, axis=1), 0.0)).reshape(1, 1)
    idxr[0, 0] = idx
    onehot = (lax.broadcasted_iota(jnp.int32, (R, K), 1)
              == idx[:, None]).astype(jnp.float32)
    c = jnp.sum(onehot, axis=0)

    @pl.when(i == 0)
    def _():
        cntr[0] = c
        csumr[...] = csum

    @pl.when(i > 0)
    def _():
        cntr[0] += c
        csumr[...] = csumr[...] + csum

    @pl.when(i == pl.num_programs(0) - 1)
    def _():
        p = cntr[0] * (1.0 / TOT)
        perpr[...] = jnp.exp(-jnp.sum(p * jnp.log(p + 1e-10))).reshape(1, 1)
        csumr[...] = csumr[...] * (0.25 / (TOT * D))


def _vq_stage(z, emb, TOT, Wp, W_out):
    N_, DP, R, D = z.shape
    flat = z.reshape(N_ * DP, R, D)
    B = N_ * DP * R
    K = emb.shape[0]
    e2 = jnp.sum(emb * emb, axis=1)[None, :]
    body = functools.partial(_vq_body, R=R, K=K, TOT=TOT, D=D, Wp=Wp,
                             W_out=W_out)
    idx, cnt, csum, perp = pl.pallas_call(
        body,
        grid=(B // R,),
        in_specs=[
            pl.BlockSpec((1, R, D), lambda i: (i, 0, 0)),
            pl.BlockSpec((D, K), lambda i: (0, 0)),
            pl.BlockSpec((1, K), lambda i: (0, 0)),
        ],
        out_specs=[
            pl.BlockSpec((1, 1, R), lambda i: (i, 0, 0)),
            pl.BlockSpec((1, K), lambda i: (0, 0)),
            pl.BlockSpec((1, 1), lambda i: (0, 0)),
            pl.BlockSpec((1, 1), lambda i: (0, 0)),
        ],
        out_shape=[
            jax.ShapeDtypeStruct((B // R, 1, R), jnp.int32),
            jax.ShapeDtypeStruct((1, K), jnp.float32),
            jax.ShapeDtypeStruct((1, 1), jnp.float32),
            jax.ShapeDtypeStruct((1, 1), jnp.float32),
        ],
    )(flat, emb.T, e2)
    return idx.reshape(B), csum[0, 0], perp[0, 0]



def _quant_gather(emb, idx):
    emb = jnp.pad(emb, ((0, 8), (0, 128 - emb.shape[1])))
    B = idx.shape[0]
    D = emb.shape[1]
    info = plsc.get_sparse_core_info()
    NW = info.num_cores * info.num_subcores
    b_per_w = B // NW
    n_ch = 8
    CH = b_per_w // n_ch
    mesh = plsc.VectorSubcoreMesh(core_axis_name="c", subcore_axis_name="s")

    @functools.partial(
        pl.kernel, mesh=mesh,
        out_type=jax.ShapeDtypeStruct((B, D), jnp.float32),
        scratch_types=[
            [pltpu.VMEM((CH,), jnp.int32) for _ in range(n_ch)],
            [pltpu.VMEM((CH, D), jnp.float32) for _ in range(2)],
            [pltpu.SemaphoreType.DMA for _ in range(2)],
        ],
    )
    def gather_k(table_hbm, idx_hbm, out_hbm, idx_v, rows_v, sem):
        wid = lax.axis_index("s") * info.num_cores + lax.axis_index("c")
        base = wid * b_per_w
        for ch in range(n_ch):
            pltpu.sync_copy(idx_hbm.at[pl.ds(base + ch * CH, CH)], idx_v[ch])
        pend = {0: pltpu.async_copy(table_hbm.at[idx_v[0]], rows_v[0], sem[0])}
        for ch in range(n_ch):
            if ch + 1 < n_ch:
                pend[ch + 1] = pltpu.async_copy(
                    table_hbm.at[idx_v[ch + 1]], rows_v[(ch + 1) % 2],
                    sem[(ch + 1) % 2])
            pend[ch].wait()
            pltpu.sync_copy(rows_v[ch % 2],
                            out_hbm.at[pl.ds(base + ch * CH, CH)])

    return gather_k(emb, idx)



def _w_e1(p):
    w1 = p["ew1"].reshape(32, 2, 2, 2, 2, 2, 2).transpose(1, 3, 5, 2, 4, 6, 0)
    w1 = w1.reshape(64, 32)
    return _bn_fold(w1, p["eb1"], p["eg1"], p["ebt1"], p["em1"], p["ev1"])


def _w_convT(p):
    f = jnp.flip(p["dwt"], axis=(2, 3, 4))
    F = f.reshape(64, 32, 2, 2, 2, 2, 2, 2).transpose(3, 5, 7, 2, 4, 6, 0, 1)
    s2 = p["dg2"] / jnp.sqrt(p["dv2"] + 1e-5)
    F = F * s2[None, None, None, None, None, None, None, :]
    T = np.zeros((3, 2, 2), np.float32)
    for ph in range(2):
        for k in range(2):
            T[ph + k, ph, k] = 1.0
    T = jnp.asarray(T)
    W = jnp.einsum("hyk,wxl,zyxAklEC->zAhwEyxC", T, T, F)
    W = W.reshape(2, 2 * 3 * 3 * 64, 2 * 2 * 32)
    bt = ((p["dtb"] - p["dm2"]) * s2 + p["dbt2"])
    bias = jnp.tile(bt, (4,))[None, :]
    return W, bias


def _w_d3(p):
    S = np.zeros((2, 3, 2, 3), np.float32)
    for q in range(2):
        for kd in range(3):
            for pz in range(2):
                j = 2 * (kd - 1) + pz + 1 - q
                if 0 <= j <= 2:
                    S[q, kd, pz, j] = 1.0
    S = jnp.asarray(S)
    w = p["dw3"][0]
    W = jnp.einsum("aKZj,bLYk,cMXl,Djkl->KLMZYXDabc", S, S, S, w)
    W = W.reshape(27 * 256, 8)
    bias = jnp.full((1, 8), p["db3"][0])
    return W, bias



def kernel(x, p):
    N = x.shape[0]

    xp = jnp.pad(x[:, 0], ((0, 0), (1, 1), (1, 1), (1, 3)))
    xp = xp.reshape(N, 17, 2, 33, 2, 34, 2).transpose(0, 1, 3, 5, 2, 4, 6)
    xp = xp.reshape(N, 17, 33 * 34, 8)
    xp = jnp.pad(xp, ((0, 0), (0, 0), (0, 8), (0, 0)))
    w1, b1 = _w_e1(p)
    h = _conv_stage(xp, w1, b1, KD=2, KH=2, KW=2, Wp=34, H_out=32, W_out=32,
                    D_out=16, act="relu", pad_out=True)

    w2 = p["ew2"].transpose(2, 3, 4, 1, 0).reshape(27 * 32, 64)
    w2, b2 = _bn_fold(w2, p["eb2"], p["eg2"], p["ebt2"], p["em2"], p["ev2"])
    h = _conv_stage(h, w2, b2, KD=3, KH=3, KW=3, Wp=34, H_out=32, W_out=32,
                    D_out=16, act="relu", pad_out=True)

    w3 = p["ew3"].transpose(2, 3, 4, 1, 0).reshape(27 * 64, 64)
    b3 = p["eb3"][None, :]
    z = _conv_stage(h, w3, b3, KD=3, KH=3, KW=3, Wp=34, H_out=32, W_out=32,
                    D_out=16, act="none", pad_out=False,
                    out_dtype=jnp.float32)

    idx, commitment, perplexity = _vq_stage(z, p["emb"], TOT=N * 16 * 32 * 32,
                                            Wp=34, W_out=32)

    quant = _quant_gather(p["emb"], idx)[:, :64].astype(BF16)
    quant = quant.reshape(N, 16, 1088, 64)

    qp = jnp.pad(quant, ((0, 0), (1, 1), (35, 41), (0, 0)))
    dw1 = p["dw1"].transpose(2, 3, 4, 1, 0).reshape(27 * 64, 64)
    dw1, db1 = _bn_fold(dw1, p["db1"], p["dg1"], p["dbt1"], p["dm1"], p["dv1"])
    h = _conv_stage(qp, dw1, db1, KD=3, KH=3, KW=3, Wp=34, H_out=32, W_out=32,
                    D_out=16, act="relu", pad_out=True)

    Wt, bt = _w_convT(p)
    h = _conv_stage(h, Wt, bt, KD=2, KH=3, KW=3, Wp=34, H_out=32, W_out=32,
                    D_out=16, act="relu", pad_out=True,
                    phase_grid=True)

    W3, b3d = _w_d3(p)
    y = _conv_stage(h, W3, b3d, KD=3, KH=3, KW=3, Wp=34, H_out=32, W_out=32,
                    D_out=16, act="sigmoid", pad_out=False,
                    out_dtype=jnp.float32)

    y = y.reshape(N, 16, 32, 34, 8)[:, :, :, :32, :]
    y = y.reshape(N, 16, 32, 32, 2, 2, 2).transpose(0, 1, 4, 2, 5, 3, 6)
    x_recon = y.reshape(N, 1, 32, 64, 64)

    return x_recon, commitment.astype(jnp.float32), perplexity.astype(jnp.float32)

# --- scband reference (transcript-rebuilt; emitter-appended) ---
"""Pipeline reference for scband-vqvae-18159121727588 (READ-ONLY COPY).

The authoritative reference and input builder live on the scoring server;
editing this copy changes nothing except your own understanding.
"""

import jax, jax.numpy as jnp
import numpy as np


def _conv3d(x, w, b, stride, pad):
    out = jax.lax.conv_general_dilated(
        x, w, (stride, stride, stride), ((pad, pad), (pad, pad), (pad, pad)),
        dimension_numbers=('NCDHW', 'OIDHW', 'NCDHW'))
    return out + b[None, :, None, None, None]


def _convT3d(x, w, b):
    # torch ConvTranspose3d(k=4, s=2, p=1): weight shape (in, out, 4,4,4)
    wt = jnp.flip(w, axis=(2, 3, 4)).transpose(1, 0, 2, 3, 4)
    out = jax.lax.conv_general_dilated(
        x, wt, (1, 1, 1), ((2, 2), (2, 2), (2, 2)), lhs_dilation=(2, 2, 2),
        dimension_numbers=('NCDHW', 'OIDHW', 'NCDHW'))
    return out + b[None, :, None, None, None]


def _bn(x, g, b, m, v, eps=1e-5):
    sh = (1, -1, 1, 1, 1)
    return (x - m.reshape(sh)) / jnp.sqrt(v.reshape(sh) + eps) * g.reshape(sh) + b.reshape(sh)


def _forward(x, p):
    # Encoder
    h = _conv3d(x, p['ew1'], p['eb1'], 2, 1)
    h = jax.nn.relu(_bn(h, p['eg1'], p['ebt1'], p['em1'], p['ev1']))
    h = _conv3d(h, p['ew2'], p['eb2'], 1, 1)
    h = jax.nn.relu(_bn(h, p['eg2'], p['ebt2'], p['em2'], p['ev2']))
    z = _conv3d(h, p['ew3'], p['eb3'], 1, 1)
    # VectorQuantizerEMA (eval mode: no EMA buffer updates)
    D = z.shape[1]
    zp = jnp.transpose(z, (0, 2, 3, 4, 1))
    flat = zp.reshape(-1, D)
    emb = p['emb']
    d2 = (jnp.sum(flat ** 2, axis=1, keepdims=True)
          + jnp.sum(emb ** 2, axis=1)[None, :]
          - 2.0 * (flat @ emb.T))
    dist = jnp.sqrt(jnp.clip(d2, 0.0, None))
    idx = jnp.argmin(dist, axis=1)
    quant = jnp.take(emb, idx, axis=0).reshape(zp.shape)
    quant = jnp.transpose(quant, (0, 4, 1, 2, 3))
    commitment = 0.25 * jnp.mean((z - jax.lax.stop_gradient(quant)) ** 2)
    quant_st = z + jax.lax.stop_gradient(quant - z)
    counts = jnp.bincount(idx, length=emb.shape[0])
    avg_probs = counts.astype(flat.dtype) / flat.shape[0]
    perplexity = jnp.exp(-jnp.sum(avg_probs * jnp.log(avg_probs + 1e-10)))
    # Decoder
    h = _conv3d(quant_st, p['dw1'], p['db1'], 1, 1)
    h = jax.nn.relu(_bn(h, p['dg1'], p['dbt1'], p['dm1'], p['dv1']))
    h = _convT3d(h, p['dwt'], p['dtb'])
    h = jax.nn.relu(_bn(h, p['dg2'], p['dbt2'], p['dm2'], p['dv2']))
    h = _conv3d(h, p['dw3'], p['db3'], 1, 1)
    x_recon = jax.nn.sigmoid(h)
    return x_recon, commitment, perplexity


def setup_inputs(seed: int = 0):
    key = jax.random.key(seed)
    ks = jax.random.split(key, 10)
    D, K = 64, 512
    x = jax.random.normal(ks[0], (4, 1, 32, 64, 64), dtype=jnp.float32)

    def w(k, shape, s=0.05):
        return jax.random.normal(k, shape, dtype=jnp.float32) * s

    emb = jax.random.normal(ks[1], (K, D), dtype=jnp.float32) * 0.1
    emb = emb / jnp.linalg.norm(emb, axis=1, keepdims=True)
    p = {
        'ew1': w(ks[2], (32, 1, 4, 4, 4)), 'eb1': jnp.zeros(32, dtype=jnp.float32),
        'eg1': jnp.ones(32, dtype=jnp.float32), 'ebt1': jnp.zeros(32, dtype=jnp.float32), 'em1': jnp.zeros(32, dtype=jnp.float32), 'ev1': jnp.ones(32, dtype=jnp.float32),
        'ew2': w(ks[3], (64, 32, 3, 3, 3)), 'eb2': jnp.zeros(64, dtype=jnp.float32),
        'eg2': jnp.ones(64, dtype=jnp.float32), 'ebt2': jnp.zeros(64, dtype=jnp.float32), 'em2': jnp.zeros(64, dtype=jnp.float32), 'ev2': jnp.ones(64, dtype=jnp.float32),
        'ew3': w(ks[4], (D, 64, 3, 3, 3)), 'eb3': jnp.zeros(D, dtype=jnp.float32),
        'dw1': w(ks[5], (64, D, 3, 3, 3)), 'db1': jnp.zeros(64, dtype=jnp.float32),
        'dg1': jnp.ones(64, dtype=jnp.float32), 'dbt1': jnp.zeros(64, dtype=jnp.float32), 'dm1': jnp.zeros(64, dtype=jnp.float32), 'dv1': jnp.ones(64, dtype=jnp.float32),
        'dwt': w(ks[6], (64, 32, 4, 4, 4)), 'dtb': jnp.zeros(32, dtype=jnp.float32),
        'dg2': jnp.ones(32, dtype=jnp.float32), 'dbt2': jnp.zeros(32, dtype=jnp.float32), 'dm2': jnp.zeros(32, dtype=jnp.float32), 'dv2': jnp.ones(32, dtype=jnp.float32),
        'dw3': w(ks[7], (1, 32, 3, 3, 3)), 'db3': jnp.zeros(1, dtype=jnp.float32),
        'emb': emb,
    }
    return {'x': x, 'params': p}


def reference(x, params):
    return _forward(x, params)

if __name__ == "__main__":
    import jax
    _d = setup_inputs()
    print(jax.jit(kernel)(*tuple(_d.values())))

</pallas_src>

<mosaic_0001>
#map = affine_map<(d0, d1) -> (0, 0)>
#map1 = affine_map<(d0, d1) -> (0)>
module attributes {stable_mosaic.version = 14 : i64} {
  func.func @gather_k(%arg0: i32, %arg1: i32, %arg2: memref<520x128xf32, #tpu.memory_space<hbm>>, %arg3: memref<69632xi32, #tpu.memory_space<hbm>>, %arg4: memref<69632x128xf32, #tpu.memory_space<hbm>>, %arg5: memref<272xi32, #tpu.memory_space<vmem>>, %arg6: memref<272xi32, #tpu.memory_space<vmem>>, %arg7: memref<272xi32, #tpu.memory_space<vmem>>, %arg8: memref<272xi32, #tpu.memory_space<vmem>>, %arg9: memref<272xi32, #tpu.memory_space<vmem>>, %arg10: memref<272xi32, #tpu.memory_space<vmem>>, %arg11: memref<272xi32, #tpu.memory_space<vmem>>, %arg12: memref<272xi32, #tpu.memory_space<vmem>>, %arg13: memref<272x128xf32, #tpu.memory_space<vmem>>, %arg14: memref<272x128xf32, #tpu.memory_space<vmem>>, %arg15: memref<!tpu.dma_semaphore, #tpu.memory_space<semaphore_mem>>, %arg16: memref<!tpu.dma_semaphore, #tpu.memory_space<semaphore_mem>>) attributes {dimension_semantics = [#tpu.dimension_semantics<core_parallel>, #tpu.dimension_semantics<subcore_parallel>], iteration_bounds = array<i64: 2, 16>, scalar_prefetch = 0 : i64, scratch_operands = 12 : i64, tpu.core_type = #tpu.core_type<sc_vector_subcore>, window_params = [{transform_indices = #map}, {transform_indices = #map1}, {transform_indices = #map}]} {
    %mul3A = arith.constant 2 : i32
    %mul3A_0 = arith.muli %arg1, %mul3A : i32
    %add3A = arith.addi %mul3A_0, %arg0 : i32
    %mul3A_1 = arith.constant 2176 : i32
    %mul3A_2 = arith.muli %add3A, %mul3A_1 : i32
    %add3A_3 = arith.constant 0 : i32
    %add3A_4 = arith.addi %mul3A_2, %add3A_3 : i32
    "tpu.region"() ({
      %run_scoped3A = tpu.sem_alloc : memref<!tpu.dma_semaphore, #tpu.memory_space<semaphore_mem>>
      %dma_start3A_81 = tpu.memref_slice %arg3[%add3A_4] : memref<69632xi32, #tpu.memory_space<hbm>> -> memref<272xi32, #tpu.memory_space<hbm>>
      %dma_start3A_82 = tpu.memref_slice %arg3[%add3A_4] : memref<69632xi32, #tpu.memory_space<hbm>> -> memref<272xi32, #tpu.memory_space<hbm>>
      tpu.enqueue_dma source(%dma_start3A_82 : memref<272xi32, #tpu.memory_space<hbm>>) target(%arg5 : memref<272xi32, #tpu.memory_space<vmem>>) target_semaphore(%run_scoped3A : memref<!tpu.dma_semaphore, #tpu.memory_space<semaphore_mem>>)
      %dma_wait3A_83 = tpu.memref_slice %arg3[%add3A_4] : memref<69632xi32, #tpu.memory_space<hbm>> -> memref<272xi32, #tpu.memory_space<hbm>>
      %dma_wait3A_84 = tpu.memref_slice %arg3[%add3A_4] : memref<69632xi32, #tpu.memory_space<hbm>> -> memref<272xi32, #tpu.memory_space<hbm>>
      tpu.wait_dma2 semaphore(%run_scoped3A : memref<!tpu.dma_semaphore, #tpu.memory_space<semaphore_mem>>) src(%dma_wait3A_84 : memref<272xi32, #tpu.memory_space<hbm>>) dst(%arg5 : memref<272xi32, #tpu.memory_space<vmem>>)
      tpu.yield
    }) : () -> ()
    %add3A_5 = arith.constant 272 : i32
    %add3A_6 = arith.addi %mul3A_2, %add3A_5 : i32
    "tpu.region"() ({
      %run_scoped3A = tpu.sem_alloc : memref<!tpu.dma_semaphore, #tpu.memory_space<semaphore_mem>>
      %dma_start3A_81 = tpu.memref_slice %arg3[%add3A_6] : memref<69632xi32, #tpu.memory_space<hbm>> -> memref<272xi32, #tpu.memory_space<hbm>>
      %dma_start3A_82 = tpu.memref_slice %arg3[%add3A_6] : memref<69632xi32, #tpu.memory_space<hbm>> -> memref<272xi32, #tpu.memory_space<hbm>>
      tpu.enqueue_dma source(%dma_start3A_82 : memref<272xi32, #tpu.memory_space<hbm>>) target(%arg6 : memref<272xi32, #tpu.memory_space<vmem>>) target_semaphore(%run_scoped3A : memref<!tpu.dma_semaphore, #tpu.memory_space<semaphore_mem>>)
      %dma_wait3A_83 = tpu.memref_slice %arg3[%add3A_6] : memref<69632xi32, #tpu.memory_space<hbm>> -> memref<272xi32, #tpu.memory_space<hbm>>
      %dma_wait3A_84 = tpu.memref_slice %arg3[%add3A_6] : memref<69632xi32, #tpu.memory_space<hbm>> -> memref<272xi32, #tpu.memory_space<hbm>>
      tpu.wait_dma2 semaphore(%run_scoped3A : memref<!tpu.dma_semaphore, #tpu.memory_space<semaphore_mem>>) src(%dma_wait3A_84 : memref<272xi32, #tpu.memory_space<hbm>>) dst(%arg6 : memref<272xi32, #tpu.memory_space<vmem>>)
      tpu.yield
    }) : () -> ()
    %add3A_7 = arith.constant 544 : i32
    %add3A_8 = arith.addi %mul3A_2, %add3A_7 : i32
    "tpu.region"() ({
      %run_scoped3A = tpu.sem_alloc : memref<!tpu.dma_semaphore, #tpu.memory_space<semaphore_mem>>
      %dma_start3A_81 = tpu.memref_slice %arg3[%add3A_8] : memref<69632xi32, #tpu.memory_space<hbm>> -> memref<272xi32, #tpu.memory_space<hbm>>
      %dma_start3A_82 = tpu.memref_slice %arg3[%add3A_8] : memref<69632xi32, #tpu.memory_space<hbm>> -> memref<272xi32, #tpu.memory_space<hbm>>
      tpu.enqueue_dma source(%dma_start3A_82 : memref<272xi32, #tpu.memory_space<hbm>>) target(%arg7 : memref<272xi32, #tpu.memory_space<vmem>>) target_semaphore(%run_scoped3A : memref<!tpu.dma_semaphore, #tpu.memory_space<semaphore_mem>>)
      %dma_wait3A_83 = tpu.memref_slice %arg3[%add3A_8] : memref<69632xi32, #tpu.memory_space<hbm>> -> memref<272xi32, #tpu.memory_space<hbm>>
      %dma_wait3A_84 = tpu.memref_slice %arg3[%add3A_8] : memref<69632xi32, #tpu.memory_space<hbm>> -> memref<272xi32, #tpu.memory_space<hbm>>
      tpu.wait_dma2 semaphore(%run_scoped3A : memref<!tpu.dma_semaphore, #tpu.memory_space<semaphore_mem>>) src(%dma_wait3A_84 : memref<272xi32, #tpu.memory_space<hbm>>) dst(%arg7 : memref<272xi32, #tpu.memory_space<vmem>>)
      tpu.yield
    }) : () -> ()
    %add3A_9 = arith.constant 816 : i32
    %add3A_10 = arith.addi %mul3A_2, %add3A_9 : i32
    "tpu.region"() ({
      %run_scoped3A = tpu.sem_alloc : memref<!tpu.dma_semaphore, #tpu.memory_space<semaphore_mem>>
      %dma_start3A_81 = tpu.memref_slice %arg3[%add3A_10] : memref<69632xi32, #tpu.memory_space<hbm>> -> memref<272xi32, #tpu.memory_space<hbm>>
      %dma_start3A_82 = tpu.memref_slice %arg3[%add3A_10] : memref<69632xi32, #tpu.memory_space<hbm>> -> memref<272xi32, #tpu.memory_space<hbm>>
      tpu.enqueue_dma source(%dma_start3A_82 : memref<272xi32, #tpu.memory_space<hbm>>) target(%arg8 : memref<272xi32, #tpu.memory_space<vmem>>) target_semaphore(%run_scoped3A : memref<!tpu.dma_semaphore, #tpu.memory_space<semaphore_mem>>)
      %dma_wait3A_83 = tpu.memref_slice %arg3[%add3A_10] : memref<69632xi32, #tpu.memory_space<hbm>> -> memref<272xi32, #tpu.memory_space<hbm>>
      %dma_wait3A_84 = tpu.memref_slice %arg3[%add3A_10] : memref<69632xi32, #tpu.memory_space<hbm>> -> memref<272xi32, #tpu.memory_space<hbm>>
      tpu.wait_dma2 semaphore(%run_scoped3A : memref<!tpu.dma_semaphore, #tpu.memory_space<semaphore_mem>>) src(%dma_wait3A_84 : memref<272xi32, #tpu.memory_space<hbm>>) dst(%arg8 : memref<272xi32, #tpu.memory_space<vmem>>)
      tpu.yield
    }) : () -> ()
    %add3A_11 = arith.constant 1088 : i32
    %add3A_12 = arith.addi %mul3A_2, %add3A_11 : i32
    "tpu.region"() ({
      %run_scoped3A = tpu.sem_alloc : memref<!tpu.dma_semaphore, #tpu.memory_space<semaphore_mem>>
      %dma_start3A_81 = tpu.memref_slice %arg3[%add3A_12] : memref<69632xi32, #tpu.memory_space<hbm>> -> memref<272xi32, #tpu.memory_space<hbm>>
      %dma_start3A_82 = tpu.memref_slice %arg3[%add3A_12] : memref<69632xi32, #tpu.memory_space<hbm>> -> memref<272xi32, #tpu.memory_space<hbm>>
      tpu.enqueue_dma source(%dma_start3A_82 : memref<272xi32, #tpu.memory_space<hbm>>) target(%arg9 : memref<272xi32, #tpu.memory_space<vmem>>) target_semaphore(%run_scoped3A : memref<!tpu.dma_semaphore, #tpu.memory_space<semaphore_mem>>)
      %dma_wait3A_83 = tpu.memref_slice %arg3[%add3A_12] : memref<69632xi32, #tpu.memory_space<hbm>> -> memref<272xi32, #tpu.memory_space<hbm>>
      %dma_wait3A_84 = tpu.memref_slice %arg3[%add3A_12] : memref<69632xi32, #tpu.memory_space<hbm>> -> memref<272xi32, #tpu.memory_space<hbm>>
      tpu.wait_dma2 semaphore(%run_scoped3A : memref<!tpu.dma_semaphore, #tpu.memory_space<semaphore_mem>>) src(%dma_wait3A_84 : memref<272xi32, #tpu.memory_space<hbm>>) dst(%arg9 : memref<272xi32, #tpu.memory_space<vmem>>)
      tpu.yield
    }) : () -> ()
    %add3A_13 = arith.constant 1360 : i32
    %add3A_14 = arith.addi %mul3A_2, %add3A_13 : i32
    "tpu.region"() ({
      %run_scoped3A = tpu.sem_alloc : memref<!tpu.dma_semaphore, #tpu.memory_space<semaphore_mem>>
      %dma_start3A_81 = tpu.memref_slice %arg3[%add3A_14] : memref<69632xi32, #tpu.memory_space<hbm>> -> memref<272xi32, #tpu.memory_space<hbm>>
      %dma_start3A_82 = tpu.memref_slice %arg3[%add3A_14] : memref<69632xi32, #tpu.memory_space<hbm>> -> memref<272xi32, #tpu.memory_space<hbm>>
      tpu.enqueue_dma source(%dma_start3A_82 : memref<272xi32, #tpu.memory_space<hbm>>) target(%arg10 : memref<272xi32, #tpu.memory_space<vmem>>) target_semaphore(%run_scoped3A : memref<!tpu.dma_semaphore, #tpu.memory_space<semaphore_mem>>)
      %dma_wait3A_83 = tpu.memref_slice %arg3[%add3A_14] : memref<69632xi32, #tpu.memory_space<hbm>> -> memref<272xi32, #tpu.memory_space<hbm>>
      %dma_wait3A_84 = tpu.memref_slice %arg3[%add3A_14] : memref<69632xi32, #tpu.memory_space<hbm>> -> memref<272xi32, #tpu.memory_space<hbm>>
      tpu.wait_dma2 semaphore(%run_scoped3A : memref<!tpu.dma_semaphore, #tpu.memory_space<semaphore_mem>>) src(%dma_wait3A_84 : memref<272xi32, #tpu.memory_space<hbm>>) dst(%arg10 : memref<272xi32, #tpu.memory_space<vmem>>)
      tpu.yield
    }) : () -> ()
    %add3A_15 = arith.constant 1632 : i32
    %add3A_16 = arith.addi %mul3A_2, %add3A_15 : i32
    "tpu.region"() ({
      %run_scoped3A = tpu.sem_alloc : memref<!tpu.dma_semaphore, #tpu.memory_space<semaphore_mem>>
      %dma_start3A_81 = tpu.memref_slice %arg3[%add3A_16] : memref<69632xi32, #tpu.memory_space<hbm>> -> memref<272xi32, #tpu.memory_space<hbm>>
      %dma_start3A_82 = tpu.memref_slice %arg3[%add3A_16] : memref<69632xi32, #tpu.memory_space<hbm>> -> memref<272xi32, #tpu.memory_space<hbm>>
      tpu.enqueue_dma source(%dma_start3A_82 : memref<272xi32, #tpu.memory_space<hbm>>) target(%arg11 : memref<272xi32, #tpu.memory_space<vmem>>) target_semaphore(%run_scoped3A : memref<!tpu.dma_semaphore, #tpu.memory_space<semaphore_mem>>)
      %dma_wait3A_83 = tpu.memref_slice %arg3[%add3A_16] : memref<69632xi32, #tpu.memory_space<hbm>> -> memref<272xi32, #tpu.memory_space<hbm>>
      %dma_wait3A_84 = tpu.memref_slice %arg3[%add3A_16] : memref<69632xi32, #tpu.memory_space<hbm>> -> memref<272xi32, #tpu.memory_space<hbm>>
      tpu.wait_dma2 semaphore(%run_scoped3A : memref<!tpu.dma_semaphore, #tpu.memory_space<semaphore_mem>>) src(%dma_wait3A_84 : memref<272xi32, #tpu.memory_space<hbm>>) dst(%arg11 : memref<272xi32, #tpu.memory_space<vmem>>)
      tpu.yield
    }) : () -> ()
    %add3A_17 = arith.constant 1904 : i32
    %add3A_18 = arith.addi %mul3A_2, %add3A_17 : i32
    "tpu.region"() ({
      %run_scoped3A = tpu.sem_alloc : memref<!tpu.dma_semaphore, #tpu.memory_space<semaphore_mem>>
      %dma_start3A_81 = tpu.memref_slice %arg3[%add3A_18] : memref<69632xi32, #tpu.memory_space<hbm>> -> memref<272xi32, #tpu.memory_space<hbm>>
      %dma_start3A_82 = tpu.memref_slice %arg3[%add3A_18] : memref<69632xi32, #tpu.memory_space<hbm>> -> memref<272xi32, #tpu.memory_space<hbm>>
      tpu.enqueue_dma source(%dma_start3A_82 : memref<272xi32, #tpu.memory_space<hbm>>) target(%arg12 : memref<272xi32, #tpu.memory_space<vmem>>) target_semaphore(%run_scoped3A : memref<!tpu.dma_semaphore, #tpu.memory_space<semaphore_mem>>)
      %dma_wait3A_83 = tpu.memref_slice %arg3[%add3A_18] : memref<69632xi32, #tpu.memory_space<hbm>> -> memref<272xi32, #tpu.memory_space<hbm>>
      %dma_wait3A_84 = tpu.memref_slice %arg3[%add3A_18] : memref<69632xi32, #tpu.memory_space<hbm>> -> memref<272xi32, #tpu.memory_space<hbm>>
      tpu.wait_dma2 semaphore(%run_scoped3A : memref<!tpu.dma_semaphore, #tpu.memory_space<semaphore_mem>>) src(%dma_wait3A_84 : memref<272xi32, #tpu.memory_space<hbm>>) dst(%arg12 : memref<272xi32, #tpu.memory_space<vmem>>)
      tpu.yield
    }) : () -> ()
    %dma_start3A = arith.constant 0 : i32
    %dma_start3A_19 = arith.constant 0 : i32
    %dma_start3A_20 = tpu.memref_slice %arg2[%dma_start3A, %dma_start3A_19] : memref<520x128xf32, #tpu.memory_space<hbm>> -> memref<520x128xf32, #tpu.memory_space<hbm>>
    tpu.enqueue_indirect_dma source(%dma_start3A_20 : memref<520x128xf32, #tpu.memory_space<hbm>>) target(%arg13 : memref<272x128xf32, #tpu.memory_space<vmem>>) offsets(%arg5 : memref<272xi32, #tpu.memory_space<vmem>>) semaphore(%arg15 : memref<!tpu.dma_semaphore, #tpu.memory_space<semaphore_mem>>)
    %dma_start3A_21 = arith.constant 0 : i32
    %dma_start3A_22 = arith.constant 0 : i32
    %dma_start3A_23 = tpu.memref_slice %arg2[%dma_start3A_21, %dma_start3A_22] : memref<520x128xf32, #tpu.memory_space<hbm>> -> memref<520x128xf32, #tpu.memory_space<hbm>>
    tpu.enqueue_indirect_dma source(%dma_start3A_23 : memref<520x128xf32, #tpu.memory_space<hbm>>) target(%arg14 : memref<272x128xf32, #tpu.memory_space<vmem>>) offsets(%arg6 : memref<272xi32, #tpu.memory_space<vmem>>) semaphore(%arg16 : memref<!tpu.dma_semaphore, #tpu.memory_space<semaphore_mem>>)
    %dma_wait3A = arith.constant 0 : i32
    %dma_wait3A_24 = arith.constant 0 : i32
    %dma_wait3A_25 = tpu.memref_slice %arg2[%dma_wait3A, %dma_wait3A_24] : memref<520x128xf32, #tpu.memory_space<hbm>> -> memref<520x128xf32, #tpu.memory_space<hbm>>
    tpu.wait_indirect_dma semaphore(%arg15 : memref<!tpu.dma_semaphore, #tpu.memory_space<semaphore_mem>>) src(%dma_wait3A_25 : memref<520x128xf32, #tpu.memory_space<hbm>>) dst(%arg13 : memref<272x128xf32, #tpu.memory_space<vmem>>)
    %add3A_26 = arith.constant 0 : i32
    %add3A_27 = arith.addi %mul3A_2, %add3A_26 : i32
    "tpu.region"() ({
      %run_scoped3A = tpu.sem_alloc : memref<!tpu.dma_semaphore, #tpu.memory_space<semaphore_mem>>
      %dma_start3A_81 = arith.constant 0 : i32
      %dma_start3A_82 = tpu.memref_slice %arg4[%add3A_27, %dma_start3A_81] : memref<69632x128xf32, #tpu.memory_space<hbm>> -> memref<272x128xf32, #tpu.memory_space<hbm>>
      %dma_start3A_83 = arith.constant 0 : i32
      %dma_start3A_84 = tpu.memref_slice %arg4[%add3A_27, %dma_start3A_83] : memref<69632x128xf32, #tpu.memory_space<hbm>> -> memref<272x128xf32, #tpu.memory_space<hbm>>
      tpu.enqueue_dma source(%arg13 : memref<272x128xf32, #tpu.memory_space<vmem>>) target(%dma_start3A_84 : memref<272x128xf32, #tpu.memory_space<hbm>>) target_semaphore(%run_scoped3A : memref<!tpu.dma_semaphore, #tpu.memory_space<semaphore_mem>>)
      %dma_wait3A_85 = arith.constant 0 : i32
      %dma_wait3A_86 = tpu.memref_slice %arg4[%add3A_27, %dma_wait3A_85] : memref<69632x128xf32, #tpu.memory_space<hbm>> -> memref<272x128xf32, #tpu.memory_space<hbm>>
      %dma_wait3A_87 = arith.constant 0 : i32
      %dma_wait3A_88 = tpu.memref_slice %arg4[%add3A_27, %dma_wait3A_87] : memref<69632x128xf32, #tpu.memory_space<hbm>> -> memref<272x128xf32, #tpu.memory_space<hbm>>
      tpu.wait_dma2 semaphore(%run_scoped3A : memref<!tpu.dma_semaphore, #tpu.memory_space<semaphore_mem>>) src(%arg13 : memref<272x128xf32, #tpu.memory_space<vmem>>) dst(%dma_wait3A_88 : memref<272x128xf32, #tpu.memory_space<hbm>>)
      tpu.yield
    }) : () -> ()
    %dma_start3A_28 = arith.constant 0 : i32
    %dma_start3A_29 = arith.constant 0 : i32
    %dma_start3A_30 = tpu.memref_slice %arg2[%dma_start3A_28, %dma_start3A_29] : memref<520x128xf32, #tpu.memory_space<hbm>> -> memref<520x128xf32, #tpu.memory_space<hbm>>
    tpu.enqueue_indirect_dma source(%dma_start3A_30 : memref<520x128xf32, #tpu.memory_space<hbm>>) target(%arg13 : memref<272x128xf32, #tpu.memory_space<vmem>>) offsets(%arg7 : memref<272xi32, #tpu.memory_space<vmem>>) semaphore(%arg15 : memref<!tpu.dma_semaphore, #tpu.memory_space<semaphore_mem>>)
    %dma_wait3A_31 = arith.constant 0 : i32
    %dma_wait3A_32 = arith.constant 0 : i32
    %dma_wait3A_33 = tpu.memref_slice %arg2[%dma_wait3A_31, %dma_wait3A_32] : memref<520x128xf32, #tpu.memory_space<hbm>> -> memref<520x128xf32, #tpu.memory_space<hbm>>
    tpu.wait_indirect_dma semaphore(%arg16 : memref<!tpu.dma_semaphore, #tpu.memory_space<semaphore_mem>>) src(%dma_wait3A_33 : memref<520x128xf32, #tpu.memory_space<hbm>>) dst(%arg14 : memref<272x128xf32, #tpu.memory_space<vmem>>)
    %add3A_34 = arith.constant 272 : i32
    %add3A_35 = arith.addi %mul3A_2, %add3A_34 : i32
    "tpu.region"() ({
      %run_scoped3A = tpu.sem_alloc : memref<!tpu.dma_semaphore, #tpu.memory_space<semaphore_mem>>
      %dma_start3A_81 = arith.constant 0 : i32
      %dma_start3A_82 = tpu.memref_slice %arg4[%add3A_35, %dma_start3A_81] : memref<69632x128xf32, #tpu.memory_space<hbm>> -> memref<272x128xf32, #tpu.memory_space<hbm>>
      %dma_start3A_83 = arith.constant 0 : i32
      %dma_start3A_84 = tpu.memref_slice %arg4[%add3A_35, %dma_start3A_83] : memref<69632x128xf32, #tpu.memory_space<hbm>> -> memref<272x128xf32, #tpu.memory_space<hbm>>
      tpu.enqueue_dma source(%arg14 : memref<272x128xf32, #tpu.memory_space<vmem>>) target(%dma_start3A_84 : memref<272x128xf32, #tpu.memory_space<hbm>>) target_semaphore(%run_scoped3A : memref<!tpu.dma_semaphore, #tpu.memory_space<semaphore_mem>>)
      %dma_wait3A_85 = arith.constant 0 : i32
      %dma_wait3A_86 = tpu.memref_slice %arg4[%add3A_35, %dma_wait3A_85] : memref<69632x128xf32, #tpu.memory_space<hbm>> -> memref<272x128xf32, #tpu.memory_space<hbm>>
      %dma_wait3A_87 = arith.constant 0 : i32
      %dma_wait3A_88 = tpu.memref_slice %arg4[%add3A_35, %dma_wait3A_87] : memref<69632x128xf32, #tpu.memory_space<hbm>> -> memref<272x128xf32, #tpu.memory_space<hbm>>
      tpu.wait_dma2 semaphore(%run_scoped3A : memref<!tpu.dma_semaphore, #tpu.memory_space<semaphore_mem>>) src(%arg14 : memref<272x128xf32, #tpu.memory_space<vmem>>) dst(%dma_wait3A_88 : memref<272x128xf32, #tpu.memory_space<hbm>>)
      tpu.yield
    }) : () -> ()
    %dma_start3A_36 = arith.constant 0 : i32
    %dma_start3A_37 = arith.constant 0 : i32
    %dma_start3A_38 = tpu.memref_slice %arg2[%dma_start3A_36, %dma_start3A_37] : memref<520x128xf32, #tpu.memory_space<hbm>> -> memref<520x128xf32, #tpu.memory_space<hbm>>
    tpu.enqueue_indirect_dma source(%dma_start3A_38 : memref<520x128xf32, #tpu.memory_space<hbm>>) target(%arg14 : memref<272x128xf32, #tpu.memory_space<vmem>>) offsets(%arg8 : memref<272xi32, #tpu.memory_space<vmem>>) semaphore(%arg16 : memref<!tpu.dma_semaphore, #tpu.memory_space<semaphore_mem>>)
    %dma_wait3A_39 = arith.constant 0 : i32
    %dma_wait3A_40 = arith.constant 0 : i32
    %dma_wait3A_41 = tpu.memref_slice %arg2[%dma_wait3A_39, %dma_wait3A_40] : memref<520x128xf32, #tpu.memory_space<hbm>> -> memref<520x128xf32, #tpu.memory_space<hbm>>
    tpu.wait_indirect_dma semaphore(%arg15 : memref<!tpu.dma_semaphore, #tpu.memory_space<semaphore_mem>>) src(%dma_wait3A_41 : memref<520x128xf32, #tpu.memory_space<hbm>>) dst(%arg13 : memref<272x128xf32, #tpu.memory_space<vmem>>)
    %add3A_42 = arith.constant 544 : i32
    %add3A_43 = arith.addi %mul3A_2, %add3A_42 : i32
    "tpu.region"() ({
      %run_scoped3A = tpu.sem_alloc : memref<!tpu.dma_semaphore, #tpu.memory_space<semaphore_mem>>
      %dma_start3A_81 = arith.constant 0 : i32
      %dma_start3A_82 = tpu.memref_slice %arg4[%add3A_43, %dma_start3A_81] : memref<69632x128xf32, #tpu.memory_space<hbm>> -> memref<272x128xf32, #tpu.memory_space<hbm>>
      %dma_start3A_83 = arith.constant 0 : i32
      %dma_start3A_84 = tpu.memref_slice %arg4[%add3A_43, %dma_start3A_83] : memref<69632x128xf32, #tpu.memory_space<hbm>> -> memref<272x128xf32, #tpu.memory_space<hbm>>
      tpu.enqueue_dma source(%arg13 : memref<272x128xf32, #tpu.memory_space<vmem>>) target(%dma_start3A_84 : memref<272x128xf32, #tpu.memory_space<hbm>>) target_semaphore(%run_scoped3A : memref<!tpu.dma_semaphore, #tpu.memory_space<semaphore_mem>>)
      %dma_wait3A_85 = arith.constant 0 : i32
      %dma_wait3A_86 = tpu.memref_slice %arg4[%add3A_43, %dma_wait3A_85] : memref<69632x128xf32, #tpu.memory_space<hbm>> -> memref<272x128xf32, #tpu.memory_space<hbm>>
      %dma_wait3A_87 = arith.constant 0 : i32
      %dma_wait3A_88 = tpu.memref_slice %arg4[%add3A_43, %dma_wait3A_87] : memref<69632x128xf32, #tpu.memory_space<hbm>> -> memref<272x128xf32, #tpu.memory_space<hbm>>
      tpu.wait_dma2 semaphore(%run_scoped3A : memref<!tpu.dma_semaphore, #tpu.memory_space<semaphore_mem>>) src(%arg13 : memref<272x128xf32, #tpu.memory_space<vmem>>) dst(%dma_wait3A_88 : memref<272x128xf32, #tpu.memory_space<hbm>>)
      tpu.yield
    }) : () -> ()
    %dma_start3A_44 = arith.constant 0 : i32
    %dma_start3A_45 = arith.constant 0 : i32
    %dma_start3A_46 = tpu.memref_slice %arg2[%dma_start3A_44, %dma_start3A_45] : memref<520x128xf32, #tpu.memory_space<hbm>> -> memref<520x128xf32, #tpu.memory_space<hbm>>
    tpu.enqueue_indirect_dma source(%dma_start3A_46 : memref<520x128xf32, #tpu.memory_space<hbm>>) target(%arg13 : memref<272x128xf32, #tpu.memory_space<vmem>>) offsets(%arg9 : memref<272xi32, #tpu.memory_space<vmem>>) semaphore(%arg15 : memref<!tpu.dma_semaphore, #tpu.memory_space<semaphore_mem>>)
    %dma_wait3A_47 = arith.constant 0 : i32
    %dma_wait3A_48 = arith.constant 0 : i32
    %dma_wait3A_49 = tpu.memref_slice %arg2[%dma_wait3A_47, %dma_wait3A_48] : memref<520x128xf32, #tpu.memory_space<hbm>> -> memref<520x128xf32, #tpu.memory_space<hbm>>
    tpu.wait_indirect_dma semaphore(%arg16 : memref<!tpu.dma_semaphore, #tpu.memory_space<semaphore_mem>>) src(%dma_wait3A_49 : memref<520x128xf32, #tpu.memory_space<hbm>>) dst(%arg14 : memref<272x128xf32, #tpu.memory_space<vmem>>)
    %add3A_50 = arith.constant 816 : i32
    %add3A_51 = arith.addi %mul3A_2, %add3A_50 : i32
    "tpu.region"() ({
      %run_scoped3A = tpu.sem_alloc : memref<!tpu.dma_semaphore, #tpu.memory_space<semaphore_mem>>
      %dma_start3A_81 = arith.constant 0 : i32
      %dma_start3A_82 = tpu.memref_slice %arg4[%add3A_51, %dma_start3A_81] : memref<69632x128xf32, #tpu.memory_space<hbm>> -> memref<272x128xf32, #tpu.memory_space<hbm>>
      %dma_start3A_83 = arith.constant 0 : i32
      %dma_start3A_84 = tpu.memref_slice %arg4[%add3A_51, %dma_start3A_83] : memref<69632x128xf32, #tpu.memory_space<hbm>> -> memref<272x128xf32, #tpu.memory_space<hbm>>
      tpu.enqueue_dma source(%arg14 : memref<272x128xf32, #tpu.memory_space<vmem>>) target(%dma_start3A_84 : memref<272x128xf32, #tpu.memory_space<hbm>>) target_semaphore(%run_scoped3A : memref<!tpu.dma_semaphore, #tpu.memory_space<semaphore_mem>>)
      %dma_wait3A_85 = arith.constant 0 : i32
      %dma_wait3A_86 = tpu.memref_slice %arg4[%add3A_51, %dma_wait3A_85] : memref<69632x128xf32, #tpu.memory_space<hbm>> -> memref<272x128xf32, #tpu.memory_space<hbm>>
      %dma_wait3A_87 = arith.constant 0 : i32
      %dma_wait3A_88 = tpu.memref_slice %arg4[%add3A_51, %dma_wait3A_87] : memref<69632x128xf32, #tpu.memory_space<hbm>> -> memref<272x128xf32, #tpu.memory_space<hbm>>
      tpu.wait_dma2 semaphore(%run_scoped3A : memref<!tpu.dma_semaphore, #tpu.memory_space<semaphore_mem>>) src(%arg14 : memref<272x128xf32, #tpu.memory_space<vmem>>) dst(%dma_wait3A_88 : memref<272x128xf32, #tpu.memory_space<hbm>>)
      tpu.yield
    }) : () -> ()
    %dma_start3A_52 = arith.constant 0 : i32
    %dma_start3A_53 = arith.constant 0 : i32
    %dma_start3A_54 = tpu.memref_slice %arg2[%dma_start3A_52, %dma_start3A_53] : memref<520x128xf32, #tpu.memory_space<hbm>> -> memref<520x128xf32, #tpu.memory_space<hbm>>
    tpu.enqueue_indirect_dma source(%dma_start3A_54 : memref<520x128xf32, #tpu.memory_space<hbm>>) target(%arg14 : memref<272x128xf32, #tpu.memory_space<vmem>>) offsets(%arg10 : memref<272xi32, #tpu.memory_space<vmem>>) semaphore(%arg16 : memref<!tpu.dma_semaphore, #tpu.memory_space<semaphore_mem>>)
    %dma_wait3A_55 = arith.constant 0 : i32
    %dma_wait3A_56 = arith.constant 0 : i32
    %dma_wait3A_57 = tpu.memref_slice %arg2[%dma_wait3A_55, %dma_wait3A_56] : memref<520x128xf32, #tpu.memory_space<hbm>> -> memref<520x128xf32, #tpu.memory_space<hbm>>
    tpu.wait_indirect_dma semaphore(%arg15 : memref<!tpu.dma_semaphore, #tpu.memory_space<semaphore_mem>>) src(%dma_wait3A_57 : memref<520x128xf32, #tpu.memory_space<hbm>>) dst(%arg13 : memref<272x128xf32, #tpu.memory_space<vmem>>)
    %add3A_58 = arith.constant 1088 : i32
    %add3A_59 = arith.addi %mul3A_2, %add3A_58 : i32
    "tpu.region"() ({
      %run_scoped3A = tpu.sem_alloc : memref<!tpu.dma_semaphore, #tpu.memory_space<semaphore_mem>>
      %dma_start3A_81 = arith.constant 0 : i32
      %dma_start3A_82 = tpu.memref_slice %arg4[%add3A_59, %dma_start3A_81] : memref<69632x128xf32, #tpu.memory_space<hbm>> -> memref<272x128xf32, #tpu.memory_space<hbm>>
      %dma_start3A_83 = arith.constant 0 : i32
      %dma_start3A_84 = tpu.memref_slice %arg4[%add3A_59, %dma_start3A_83] : memref<69632x128xf32, #tpu.memory_space<hbm>> -> memref<272x128xf32, #tpu.memory_space<hbm>>
      tpu.enqueue_dma source(%arg13 : memref<272x128xf32, #tpu.memory_space<vmem>>) target(%dma_start3A_84 : memref<272x128xf32, #tpu.memory_space<hbm>>) target_semaphore(%run_scoped3A : memref<!tpu.dma_semaphore, #tpu.memory_space<semaphore_mem>>)
      %dma_wait3A_85 = arith.constant 0 : i32
      %dma_wait3A_86 = tpu.memref_slice %arg4[%add3A_59, %dma_wait3A_85] : memref<69632x128xf32, #tpu.memory_space<hbm>> -> memref<272x128xf32, #tpu.memory_space<hbm>>
      %dma_wait3A_87 = arith.constant 0 : i32
      %dma_wait3A_88 = tpu.memref_slice %arg4[%add3A_59, %dma_wait3A_87] : memref<69632x128xf32, #tpu.memory_space<hbm>> -> memref<272x128xf32, #tpu.memory_space<hbm>>
      tpu.wait_dma2 semaphore(%run_scoped3A : memref<!tpu.dma_semaphore, #tpu.memory_space<semaphore_mem>>) src(%arg13 : memref<272x128xf32, #tpu.memory_space<vmem>>) dst(%dma_wait3A_88 : memref<272x128xf32, #tpu.memory_space<hbm>>)
      tpu.yield
    }) : () -> ()
    %dma_start3A_60 = arith.constant 0 : i32
    %dma_start3A_61 = arith.constant 0 : i32
    %dma_start3A_62 = tpu.memref_slice %arg2[%dma_start3A_60, %dma_start3A_61] : memref<520x128xf32, #tpu.memory_space<hbm>> -> memref<520x128xf32, #tpu.memory_space<hbm>>
    tpu.enqueue_indirect_dma source(%dma_start3A_62 : memref<520x128xf32, #tpu.memory_space<hbm>>) target(%arg13 : memref<272x128xf32, #tpu.memory_space<vmem>>) offsets(%arg11 : memref<272xi32, #tpu.memory_space<vmem>>) semaphore(%arg15 : memref<!tpu.dma_semaphore, #tpu.memory_space<semaphore_mem>>)
    %dma_wait3A_63 = arith.constant 0 : i32
    %dma_wait3A_64 = arith.constant 0 : i32
    %dma_wait3A_65 = tpu.memref_slice %arg2[%dma_wait3A_63, %dma_wait3A_64] : memref<520x128xf32, #tpu.memory_space<hbm>> -> memref<520x128xf32, #tpu.memory_space<hbm>>
    tpu.wait_indirect_dma semaphore(%arg16 : memref<!tpu.dma_semaphore, #tpu.memory_space<semaphore_mem>>) src(%dma_wait3A_65 : memref<520x128xf32, #tpu.memory_space<hbm>>) dst(%arg14 : memref<272x128xf32, #tpu.memory_space<vmem>>)
    %add3A_66 = arith.constant 1360 : i32
    %add3A_67 = arith.addi %mul3A_2, %add3A_66 : i32
    "tpu.region"() ({
      %run_scoped3A = tpu.sem_alloc : memref<!tpu.dma_semaphore, #tpu.memory_space<semaphore_mem>>
      %dma_start3A_81 = arith.constant 0 : i32
      %dma_start3A_82 = tpu.memref_slice %arg4[%add3A_67, %dma_start3A_81] : memref<69632x128xf32, #tpu.memory_space<hbm>> -> memref<272x128xf32, #tpu.memory_space<hbm>>
      %dma_start3A_83 = arith.constant 0 : i32
      %dma_start3A_84 = tpu.memref_slice %arg4[%add3A_67, %dma_start3A_83] : memref<69632x128xf32, #tpu.memory_space<hbm>> -> memref<272x128xf32, #tpu.memory_space<hbm>>
      tpu.enqueue_dma source(%arg14 : memref<272x128xf32, #tpu.memory_space<vmem>>) target(%dma_start3A_84 : memref<272x128xf32, #tpu.memory_space<hbm>>) target_semaphore(%run_scoped3A : memref<!tpu.dma_semaphore, #tpu.memory_space<semaphore_mem>>)
      %dma_wait3A_85 = arith.constant 0 : i32
      %dma_wait3A_86 = tpu.memref_slice %arg4[%add3A_67, %dma_wait3A_85] : memref<69632x128xf32, #tpu.memory_space<hbm>> -> memref<272x128xf32, #tpu.memory_space<hbm>>
      %dma_wait3A_87 = arith.constant 0 : i32
      %dma_wait3A_88 = tpu.memref_slice %arg4[%add3A_67, %dma_wait3A_87] : memref<69632x128xf32, #tpu.memory_space<hbm>> -> memref<272x128xf32, #tpu.memory_space<hbm>>
      tpu.wait_dma2 semaphore(%run_scoped3A : memref<!tpu.dma_semaphore, #tpu.memory_space<semaphore_mem>>) src(%arg14 : memref<272x128xf32, #tpu.memory_space<vmem>>) dst(%dma_wait3A_88 : memref<272x128xf32, #tpu.memory_space<hbm>>)
      tpu.yield
    }) : () -> ()
    %dma_start3A_68 = arith.constant 0 : i32
    %dma_start3A_69 = arith.constant 0 : i32
    %dma_start3A_70 = tpu.memref_slice %arg2[%dma_start3A_68, %dma_start3A_69] : memref<520x128xf32, #tpu.memory_space<hbm>> -> memref<520x128xf32, #tpu.memory_space<hbm>>
    tpu.enqueue_indirect_dma source(%dma_start3A_70 : memref<520x128xf32, #tpu.memory_space<hbm>>) target(%arg14 : memref<272x128xf32, #tpu.memory_space<vmem>>) offsets(%arg12 : memref<272xi32, #tpu.memory_space<vmem>>) semaphore(%arg16 : memref<!tpu.dma_semaphore, #tpu.memory_space<semaphore_mem>>)
    %dma_wait3A_71 = arith.constant 0 : i32
    %dma_wait3A_72 = arith.constant 0 : i32
    %dma_wait3A_73 = tpu.memref_slice %arg2[%dma_wait3A_71, %dma_wait3A_72] : memref<520x128xf32, #tpu.memory_space<hbm>> -> memref<520x128xf32, #tpu.memory_space<hbm>>
    tpu.wait_indirect_dma semaphore(%arg15 : memref<!tpu.dma_semaphore, #tpu.memory_space<semaphore_mem>>) src(%dma_wait3A_73 : memref<520x128xf32, #tpu.memory_space<hbm>>) dst(%arg13 : memref<272x128xf32, #tpu.memory_space<vmem>>)
    %add3A_74 = arith.constant 1632 : i32
    %add3A_75 = arith.addi %mul3A_2, %add3A_74 : i32
    "tpu.region"() ({
      %run_scoped3A = tpu.sem_alloc : memref<!tpu.dma_semaphore, #tpu.memory_space<semaphore_mem>>
      %dma_start3A_81 = arith.constant 0 : i32
      %dma_start3A_82 = tpu.memref_slice %arg4[%add3A_75, %dma_start3A_81] : memref<69632x128xf32, #tpu.memory_space<hbm>> -> memref<272x128xf32, #tpu.memory_space<hbm>>
      %dma_start3A_83 = arith.constant 0 : i32
      %dma_start3A_84 = tpu.memref_slice %arg4[%add3A_75, %dma_start3A_83] : memref<69632x128xf32, #tpu.memory_space<hbm>> -> memref<272x128xf32, #tpu.memory_space<hbm>>
      tpu.enqueue_dma source(%arg13 : memref<272x128xf32, #tpu.memory_space<vmem>>) target(%dma_start3A_84 : memref<272x128xf32, #tpu.memory_space<hbm>>) target_semaphore(%run_scoped3A : memref<!tpu.dma_semaphore, #tpu.memory_space<semaphore_mem>>)
      %dma_wait3A_85 = arith.constant 0 : i32
      %dma_wait3A_86 = tpu.memref_slice %arg4[%add3A_75, %dma_wait3A_85] : memref<69632x128xf32, #tpu.memory_space<hbm>> -> memref<272x128xf32, #tpu.memory_space<hbm>>
      %dma_wait3A_87 = arith.constant 0 : i32
      %dma_wait3A_88 = tpu.memref_slice %arg4[%add3A_75, %dma_wait3A_87] : memref<69632x128xf32, #tpu.memory_space<hbm>> -> memref<272x128xf32, #tpu.memory_space<hbm>>
      tpu.wait_dma2 semaphore(%run_scoped3A : memref<!tpu.dma_semaphore, #tpu.memory_space<semaphore_mem>>) src(%arg13 : memref<272x128xf32, #tpu.memory_space<vmem>>) dst(%dma_wait3A_88 : memref<272x128xf32, #tpu.memory_space<hbm>>)
      tpu.yield
    }) : () -> ()
    %dma_wait3A_76 = arith.constant 0 : i32
    %dma_wait3A_77 = arith.constant 0 : i32
    %dma_wait3A_78 = tpu.memref_slice %arg2[%dma_wait3A_76, %dma_wait3A_77] : memref<520x128xf32, #tpu.memory_space<hbm>> -> memref<520x128xf32, #tpu.memory_space<hbm>>
    tpu.wait_indirect_dma semaphore(%arg16 : memref<!tpu.dma_semaphore, #tpu.memory_space<semaphore_mem>>) src(%dma_wait3A_78 : memref<520x128xf32, #tpu.memory_space<hbm>>) dst(%arg14 : memref<272x128xf32, #tpu.memory_space<vmem>>)
    %add3A_79 = arith.constant 1904 : i32
    %add3A_80 = arith.addi %mul3A_2, %add3A_79 : i32
    "tpu.region"() ({
      %run_scoped3A = tpu.sem_alloc : memref<!tpu.dma_semaphore, #tpu.memory_space<semaphore_mem>>
      %dma_start3A_81 = arith.constant 0 : i32
      %dma_start3A_82 = tpu.memref_slice %arg4[%add3A_80, %dma_start3A_81] : memref<69632x128xf32, #tpu.memory_space<hbm>> -> memref<272x128xf32, #tpu.memory_space<hbm>>
      %dma_start3A_83 = arith.constant 0 : i32
      %dma_start3A_84 = tpu.memref_slice %arg4[%add3A_80, %dma_start3A_83] : memref<69632x128xf32, #tpu.memory_space<hbm>> -> memref<272x128xf32, #tpu.memory_space<hbm>>
      tpu.enqueue_dma source(%arg14 : memref<272x128xf32, #tpu.memory_space<vmem>>) target(%dma_start3A_84 : memref<272x128xf32, #tpu.memory_space<hbm>>) target_semaphore(%run_scoped3A : memref<!tpu.dma_semaphore, #tpu.memory_space<semaphore_mem>>)
      %dma_wait3A_85 = arith.constant 0 : i32
      %dma_wait3A_86 = tpu.memref_slice %arg4[%add3A_80, %dma_wait3A_85] : memref<69632x128xf32, #tpu.memory_space<hbm>> -> memref<272x128xf32, #tpu.memory_space<hbm>>
      %dma_wait3A_87 = arith.constant 0 : i32
      %dma_wait3A_88 = tpu.memref_slice %arg4[%add3A_80, %dma_wait3A_87] : memref<69632x128xf32, #tpu.memory_space<hbm>> -> memref<272x128xf32, #tpu.memory_space<hbm>>
      tpu.wait_dma2 semaphore(%run_scoped3A : memref<!tpu.dma_semaphore, #tpu.memory_space<semaphore_mem>>) src(%arg14 : memref<272x128xf32, #tpu.memory_space<vmem>>) dst(%dma_wait3A_88 : memref<272x128xf32, #tpu.memory_space<hbm>>)
      tpu.yield
    }) : () -> ()
    return
  }
}

module attributes {stable_mosaic.version = 14 : i64} {
  func.func @_conv_body(%arg0: i32, %arg1: i32, %arg2: memref<1x17x1130x8xbf16, #tpu.memory_space<vmem>>, %arg3: memref<64x32xbf16, #tpu.memory_space<vmem>>, %arg4: memref<1x32xf32, #tpu.memory_space<vmem>>, %arg5: memref<1x1x1164x32xbf16, #tpu.memory_space<vmem>>) attributes {dimension_semantics = [#tpu.dimension_semantics<arbitrary>, #tpu.dimension_semantics<arbitrary>], iteration_bounds = array<i64: 4, 18>, scalar_prefetch = 0 : i64, scratch_operands = 0 : i64, tpu.core_type = #tpu.core_type<tc>, window_params = [{transform_indices = @transform_0, window_bounds = array<i64: 1, 17, 1130, 8>}, {pipeline_mode = #tpu.pipeline_mode<synchronous>, transform_indices = @transform_1, window_bounds = array<i64: 64, 32>}, {pipeline_mode = #tpu.pipeline_mode<synchronous>, transform_indices = @transform_2, window_bounds = array<i64: 1, 32>}, {transform_indices = @transform_3, window_bounds = array<i64: 1, 1, 1164, 32>}]} {
    %sub3A = arith.constant 1 : i32
    %sub3A_0 = arith.subi %arg1, %sub3A : i32
    %ge3A = arith.constant 1 : i32
    %ge3A_1 = arith.cmpi sge, %arg1, %ge3A : i32
    %le3A = arith.constant 16 : i32
    %le3A_2 = arith.cmpi sle, %arg1, %le3A : i32
    %and3A = arith.andi %ge3A_1, %le3A_2 : i1
    %convert_element_type3A = arith.extui %and3A : i1 to i32
    %cond3A = arith.constant 0 : i32
    %cond3A_3 = arith.cmpi ne, %convert_element_type3A, %cond3A : i32
    scf.if %cond3A_3 {
      %add3A = arith.constant 0 : i32
      %add3A_8 = arith.addi %sub3A_0, %add3A : i32
      %add3A_9 = arith.constant 0 : i32
      %add3A_10 = arith.addi %add3A_8, %add3A_9 : i32
      %get3A = arith.constant 0 : index
      %get3A_11 = arith.index_cast %add3A_10 : i32 to index
      %get3A_12 = arith.constant 0 : index
      %get3A_13 = arith.constant 0 : index
      %get3A_14 = vector.load %arg2[%get3A, %get3A_11, %get3A_12, %get3A_13] : memref<1x17x1130x8xbf16, #tpu.memory_space<vmem>>, vector<1x1x1088x8xbf16>
      %get3A_15 = vector.shape_cast %get3A_14 : vector<1x1x1088x8xbf16> to vector<1088x8xbf16>
      %get3A_16 = arith.constant 0 : index
      %get3A_17 = arith.index_cast %add3A_10 : i32 to index
      %get3A_18 = arith.constant 1 : index
      %get3A_19 = arith.constant 0 : index
      %get3A_20 = vector.load %arg2[%get3A_16, %get3A_17, %get3A_18, %get3A_19] : memref<1x17x1130x8xbf16, #tpu.memory_space<vmem>>, vector<1x1x1088x8xbf16>
      %get3A_21 = vector.shape_cast %get3A_20 : vector<1x1x1088x8xbf16> to vector<1088x8xbf16>
      %get3A_22 = arith.constant 0 : index
      %get3A_23 = arith.index_cast %add3A_10 : i32 to index
      %get3A_24 = arith.constant 34 : index
      %get3A_25 = arith.constant 0 : index
      %get3A_26 = vector.load %arg2[%get3A_22, %get3A_23, %get3A_24, %get3A_25] : memref<1x17x1130x8xbf16, #tpu.memory_space<vmem>>, vector<1x1x1088x8xbf16>
      %get3A_27 = vector.shape_cast %get3A_26 : vector<1x1x1088x8xbf16> to vector<1088x8xbf16>
      %get3A_28 = arith.constant 0 : index
      %get3A_29 = arith.index_cast %add3A_10 : i32 to index
      %get3A_30 = arith.constant 35 : index
      %get3A_31 = arith.constant 0 : index
      %get3A_32 = vector.load %arg2[%get3A_28, %get3A_29, %get3A_30, %get3A_31] : memref<1x17x1130x8xbf16, #tpu.memory_space<vmem>>, vector<1x1x1088x8xbf16>
      %get3A_33 = vector.shape_cast %get3A_32 : vector<1x1x1088x8xbf16> to vector<1088x8xbf16>
      %add3A_34 = arith.constant 1 : i32
      %add3A_35 = arith.addi %sub3A_0, %add3A_34 : i32
      %add3A_36 = arith.constant 0 : i32
      %add3A_37 = arith.addi %add3A_35, %add3A_36 : i32
      %get3A_38 = arith.constant 0 : index
      %get3A_39 = arith.index_cast %add3A_37 : i32 to index
      %get3A_40 = arith.constant 0 : index
      %get3A_41 = arith.constant 0 : index
      %get3A_42 = vector.load %arg2[%get3A_38, %get3A_39, %get3A_40, %get3A_41] : memref<1x17x1130x8xbf16, #tpu.memory_space<vmem>>, vector<1x1x1088x8xbf16>
      %get3A_43 = vector.shape_cast %get3A_42 : vector<1x1x1088x8xbf16> to vector<1088x8xbf16>
      %get3A_44 = arith.constant 0 : index
      %get3A_45 = arith.index_cast %add3A_37 : i32 to index
      %get3A_46 = arith.constant 1 : index
      %get3A_47 = arith.constant 0 : index
      %get3A_48 = vector.load %arg2[%get3A_44, %get3A_45, %get3A_46, %get3A_47] : memref<1x17x1130x8xbf16, #tpu.memory_space<vmem>>, vector<1x1x1088x8xbf16>
      %get3A_49 = vector.shape_cast %get3A_48 : vector<1x1x1088x8xbf16> to vector<1088x8xbf16>
      %get3A_50 = arith.constant 0 : index
      %get3A_51 = arith.index_cast %add3A_37 : i32 to index
      %get3A_52 = arith.constant 34 : index
      %get3A_53 = arith.constant 0 : index
      %get3A_54 = vector.load %arg2[%get3A_50, %get3A_51, %get3A_52, %get3A_53] : memref<1x17x1130x8xbf16, #tpu.memory_space<vmem>>, vector<1x1x1088x8xbf16>
      %get3A_55 = vector.shape_cast %get3A_54 : vector<1x1x1088x8xbf16> to vector<1088x8xbf16>
      %get3A_56 = arith.constant 0 : index
      %get3A_57 = arith.index_cast %add3A_37 : i32 to index
      %get3A_58 = arith.constant 35 : index
      %get3A_59 = arith.constant 0 : index
      %get3A_60 = vector.load %arg2[%get3A_56, %get3A_57, %get3A_58, %get3A_59] : memref<1x17x1130x8xbf16, #tpu.memory_space<vmem>>, vector<1x1x1088x8xbf16>
      %get3A_61 = vector.shape_cast %get3A_60 : vector<1x1x1088x8xbf16> to vector<1088x8xbf16>
      %concatenate3A = tpu.concatenate %get3A_15, %get3A_21, %get3A_27, %get3A_33, %get3A_43, %get3A_49, %get3A_55, %get3A_61 in 1 : vector<1088x8xbf16>, vector<1088x8xbf16>, vector<1088x8xbf16>, vector<1088x8xbf16>, vector<1088x8xbf16>, vector<1088x8xbf16>, vector<1088x8xbf16>, vector<1088x8xbf16> -> vector<1088x64xbf16>
      %get3A_62 = arith.constant 0 : index
      %get3A_63 = arith.constant 0 : index
      %get3A_64 = vector.load %arg3[%get3A_62, %get3A_63] : memref<64x32xbf16, #tpu.memory_space<vmem>>, vector<64x32xbf16>
      %dot_general3A = arith.constant dense<0.000000e+00> : vector<1088x32xf32>
      %dot_general3A_65 = tpu.matmul %concatenate3A, %get3A_64, %dot_general3A {dimension_numbers = #tpu.dot_dimension_numbers<[1], [0], [0], [1], [0, 0, 1, 1], [], []>, transpose_lhs_hint = false} : vector<1088x64xbf16>, vector<64x32xbf16>, vector<1088x32xf32> -> vector<1088x32xf32>
      %get3A_66 = arith.constant 0 : index
      %get3A_67 = arith.constant 0 : index
      %get3A_68 = vector.load %arg4[%get3A_66, %get3A_67] : memref<1x32xf32, #tpu.memory_space<vmem>>, vector<1x32xf32>
      %add3A_69 = vector.broadcast %get3A_68 : vector<1x32xf32> to vector<1088x32xf32>
      %add3A_70 = arith.addf %dot_general3A_65, %add3A_69 : vector<1088x32xf32>
      %max3A = arith.constant 0.000000e+00 : f32
      %max3A_71 = vector.broadcast %max3A : f32 to vector<1088x32xf32>
      %max3A_72 = arith.maximumf %add3A_70, %max3A_71 : vector<1088x32xf32>
      %iota3A = tpu.iota {dimensions = array<i32: 0>} : vector<1088x1xi32>
      %jit3A = arith.constant 34 : i32
      %eq3A = arith.constant 0 : i32
      %eq3A_73 = arith.cmpi eq, %jit3A, %eq3A : i32
      %jit3A_74 = arith.constant 1 : i32
      %select_n3A = arith.select %eq3A_73, %jit3A_74, %jit3A : i32
      %rem3A = vector.broadcast %select_n3A : i32 to vector<1088x1xi32>
      %rem3A_75 = arith.remsi %iota3A, %rem3A : vector<1088x1xi32>
      %ne3A = arith.constant 0 : i32
      %ne3A_76 = vector.broadcast %ne3A : i32 to vector<1088x1xi32>
      %ne3A_77 = arith.cmpi ne, %rem3A_75, %ne3A_76 : vector<1088x1xi32>
      %lt3A = arith.constant 0 : i32
      %lt3A_78 = vector.broadcast %lt3A : i32 to vector<1088x1xi32>
      %lt3A_79 = arith.cmpi slt, %rem3A_75, %lt3A_78 : vector<1088x1xi32>
      %lt3A_80 = arith.constant 0 : i32
      %lt3A_81 = arith.cmpi slt, %select_n3A, %lt3A_80 : i32
      %ne3A_82 = vector.broadcast %lt3A_81 : i1 to vector<1088x1xi1>
      %ne3A_83 = vector.broadcast %ne3A_82 : vector<1088x1xi1> to vector<1088x1xi1>
      %ne3A_84 = arith.xori %lt3A_79, %ne3A_83 : vector<1088x1xi1>
      %and3A_85 = arith.andi %ne3A_84, %ne3A_77 : vector<1088x1xi1>
      %add3A_86 = vector.broadcast %select_n3A : i32 to vector<1088x1xi32>
      %add3A_87 = arith.addi %rem3A_75, %add3A_86 : vector<1088x1xi32>
      %select_n3A_88 = arith.select %and3A_85, %add3A_87, %rem3A_75 : vector<1088x1xi1>, vector<1088x1xi32>
      %lt3A_89 = arith.constant 32 : i32
      %lt3A_90 = vector.broadcast %lt3A_89 : i32 to vector<1088x1xi32>
      %lt3A_91 = arith.cmpi slt, %select_n3A_88, %lt3A_90 : vector<1088x1xi32>
      %jit3A_92 = arith.constant 0.000000e+00 : f32
      %broadcast_in_dim3A = vector.shape_cast %lt3A_91 : vector<1088x1xi1> to vector<1088x1xi1>
      %broadcast_in_dim3A_93 = vector.broadcast %broadcast_in_dim3A : vector<1088x1xi1> to vector<1088x32xi1>
      %broadcast_in_dim3A_94 = vector.broadcast %jit3A_92 : f32 to vector<1088x32xf32>
      %select_n3A_95 = arith.select %broadcast_in_dim3A_93, %max3A_72, %broadcast_in_dim3A_94 : vector<1088x32xi1>, vector<1088x32xf32>
      %convert_element_type3A_96 = arith.truncf %select_n3A_95 : vector<1088x32xf32> to vector<1088x32xbf16>
      %broadcast_in_dim3A_97 = arith.constant 0.000000e+00 : bf16
      %broadcast_in_dim3A_98 = vector.broadcast %broadcast_in_dim3A_97 : bf16 to vector<35x32xbf16>
      %swap3A = arith.constant 0 : index
      %swap3A_99 = arith.constant 0 : index
      %swap3A_100 = arith.constant 0 : index
      %swap3A_101 = arith.constant 0 : index
      %swap3A_102 = vector.load %arg5[%swap3A, %swap3A_99, %swap3A_100, %swap3A_101] : memref<1x1x1164x32xbf16, #tpu.memory_space<vmem>>, vector<1x1x35x32xbf16>
      %swap3A_103 = vector.shape_cast %swap3A_102 : vector<1x1x35x32xbf16> to vector<35x32xbf16>
      %swap3A_104 = vector.shape_cast %broadcast_in_dim3A_98 : vector<35x32xbf16> to vector<1x1x35x32xbf16>
      tpu.vector_store %arg5[%swap3A, %swap3A_99, %swap3A_100, %swap3A_101], %swap3A_104 {strides = array<i32>} : memref<1x1x1164x32xbf16, #tpu.memory_space<vmem>>, vector<1x1x35x32xbf16>,
      %swap3A_105 = arith.constant 0 : index
      %swap3A_106 = arith.constant 0 : index
      %swap3A_107 = arith.constant 35 : index
      %swap3A_108 = arith.constant 0 : index
      %swap3A_109 = vector.load %arg5[%swap3A_105, %swap3A_106, %swap3A_107, %swap3A_108] : memref<1x1x1164x32xbf16, #tpu.memory_space<vmem>>, vector<1x1x1088x32xbf16>
      %swap3A_110 = vector.shape_cast %swap3A_109 : vector<1x1x1088x32xbf16> to vector<1088x32xbf16>
      %swap3A_111 = vector.shape_cast %convert_element_type3A_96 : vector<1088x32xbf16> to vector<1x1x1088x32xbf16>
      tpu.vector_store %arg5[%swap3A_105, %swap3A_106, %swap3A_107, %swap3A_108], %swap3A_111 {strides = array<i32>} : memref<1x1x1164x32xbf16, #tpu.memory_space<vmem>>, vector<1x1x1088x32xbf16>,
      %broadcast_in_dim3A_112 = arith.constant 0.000000e+00 : bf16
      %broadcast_in_dim3A_113 = vector.broadcast %broadcast_in_dim3A_112 : bf16 to vector<41x32xbf16>
      %swap3A_114 = arith.constant 0 : index
      %swap3A_115 = arith.constant 0 : index
      %swap3A_116 = arith.constant 1123 : index
      %swap3A_117 = arith.constant 0 : index
      %swap3A_118 = vector.load %arg5[%swap3A_114, %swap3A_115, %swap3A_116, %swap3A_117] : memref<1x1x1164x32xbf16, #tpu.memory_space<vmem>>, vector<1x1x41x32xbf16>
      %swap3A_119 = vector.shape_cast %swap3A_118 : vector<1x1x41x32xbf16> to vector<41x32xbf16>
      %swap3A_120 = vector.shape_cast %broadcast_in_dim3A_113 : vector<41x32xbf16> to vector<1x1x41x32xbf16>
      tpu.vector_store %arg5[%swap3A_114, %swap3A_115, %swap3A_116, %swap3A_117], %swap3A_120 {strides = array<i32>} : memref<1x1x1164x32xbf16, #tpu.memory_space<vmem>>, vector<1x1x41x32xbf16>,
    } else {
    }
    %not3A = arith.constant true
    %not3A_4 = arith.xori %and3A, %not3A : i1
    %convert_element_type3A_5 = arith.extui %not3A_4 : i1 to i32
    %cond3A_6 = arith.constant 0 : i32
    %cond3A_7 = arith.cmpi ne, %convert_element_type3A_5, %cond3A_6 : i32
    scf.if %cond3A_7 {
      %broadcast_in_dim3A = arith.constant 0.000000e+00 : bf16
      %broadcast_in_dim3A_8 = vector.broadcast %broadcast_in_dim3A : bf16 to vector<1164x32xbf16>
      %swap3A = arith.constant 0 : index
      %swap3A_9 = arith.constant 0 : index
      %swap3A_10 = arith.constant 0 : index
      %swap3A_11 = arith.constant 0 : index
      %swap3A_12 = vector.load %arg5[%swap3A, %swap3A_9, %swap3A_10, %swap3A_11] : memref<1x1x1164x32xbf16, #tpu.memory_space<vmem>>, vector<1x1x1164x32xbf16>
      %swap3A_13 = vector.shape_cast %swap3A_12 : vector<1x1x1164x32xbf16> to vector<1164x32xbf16>
      %swap3A_14 = vector.shape_cast %broadcast_in_dim3A_8 : vector<1164x32xbf16> to vector<1x1x1164x32xbf16>
      tpu.vector_store %arg5[%swap3A, %swap3A_9, %swap3A_10, %swap3A_11], %swap3A_14 {strides = array<i32>} : memref<1x1x1164x32xbf16, #tpu.memory_space<vmem>>, vector<1x1x1164x32xbf16>,
    } else {
    }
    return
  }
  func.func @transform_0(%arg0: i32, %arg1: i32) -> (i32, i32, i32, i32) {
    %c0_i32 = arith.constant 0 : i32
    %c0_i32_0 = arith.constant 0 : i32
    %c0_i32_1 = arith.constant 0 : i32
    %c0_i32_2 = arith.constant 0 : i32
    return %arg0, %c0_i32, %c0_i32_0, %c0_i32_1 : i32, i32, i32, i32
  }
  func.func @transform_1(%arg0: i32, %arg1: i32) -> (i32, i32) {
    %c0_i32 = arith.constant 0 : i32
    %c0_i32_0 = arith.constant 0 : i32
    %c0_i32_1 = arith.constant 0 : i32
    return %c0_i32, %c0_i32_0 : i32, i32
  }
  func.func @transform_2(%arg0: i32, %arg1: i32) -> (i32, i32) {
    %c0_i32 = arith.constant 0 : i32
    %c0_i32_0 = arith.constant 0 : i32
    %c0_i32_1 = arith.constant 0 : i32
    return %c0_i32, %c0_i32_0 : i32, i32
  }
  func.func @transform_3(%arg0: i32, %arg1: i32) -> (i32, i32, i32, i32) {
    %c0_i32 = arith.constant 0 : i32
    %c0_i32_0 = arith.constant 0 : i32
    %c0_i32_1 = arith.constant 0 : i32
    return %arg0, %arg1, %c0_i32, %c0_i32_0 : i32, i32, i32, i32
  }
}

module attributes {stable_mosaic.version = 14 : i64} {
  func.func @_conv_body(%arg0: i32, %arg1: i32, %arg2: memref<1x18x1164x32xbf16, #tpu.memory_space<vmem>>, %arg3: memref<864x64xbf16, #tpu.memory_space<vmem>>, %arg4: memref<1x64xf32, #tpu.memory_space<vmem>>, %arg5: memref<1x1x1164x64xbf16, #tpu.memory_space<vmem>>) attributes {dimension_semantics = [#tpu.dimension_semantics<arbitrary>, #tpu.dimension_semantics<arbitrary>], iteration_bounds = array<i64: 4, 18>, scalar_prefetch = 0 : i64, scratch_operands = 0 : i64, tpu.core_type = #tpu.core_type<tc>, window_params = [{transform_indices = @transform_0, window_bounds = array<i64: 1, 18, 1164, 32>}, {pipeline_mode = #tpu.pipeline_mode<synchronous>, transform_indices = @transform_1, window_bounds = array<i64: 864, 64>}, {pipeline_mode = #tpu.pipeline_mode<synchronous>, transform_indices = @transform_2, window_bounds = array<i64: 1, 64>}, {transform_indices = @transform_3, window_bounds = array<i64: 1, 1, 1164, 64>}]} {
    %sub3A = arith.constant 1 : i32
    %sub3A_0 = arith.subi %arg1, %sub3A : i32
    %ge3A = arith.constant 1 : i32
    %ge3A_1 = arith.cmpi sge, %arg1, %ge3A : i32
    %le3A = arith.constant 16 : i32
    %le3A_2 = arith.cmpi sle, %arg1, %le3A : i32
    %and3A = arith.andi %ge3A_1, %le3A_2 : i1
    %convert_element_type3A = arith.extui %and3A : i1 to i32
    %cond3A = arith.constant 0 : i32
    %cond3A_3 = arith.cmpi ne, %convert_element_type3A, %cond3A : i32
    scf.if %cond3A_3 {
      %add3A = arith.constant 0 : i32
      %add3A_8 = arith.addi %sub3A_0, %add3A : i32
      %add3A_9 = arith.constant 0 : i32
      %add3A_10 = arith.addi %add3A_8, %add3A_9 : i32
      %get3A = arith.constant 0 : index
      %get3A_11 = arith.index_cast %add3A_10 : i32 to index
      %get3A_12 = arith.constant 0 : index
      %get3A_13 = arith.constant 0 : index
      %get3A_14 = vector.load %arg2[%get3A, %get3A_11, %get3A_12, %get3A_13] : memref<1x18x1164x32xbf16, #tpu.memory_space<vmem>>, vector<1x1x1088x32xbf16>
      %get3A_15 = vector.shape_cast %get3A_14 : vector<1x1x1088x32xbf16> to vector<1088x32xbf16>
      %get3A_16 = arith.constant 0 : index
      %get3A_17 = arith.index_cast %add3A_10 : i32 to index
      %get3A_18 = arith.constant 1 : index
      %get3A_19 = arith.constant 0 : index
      %get3A_20 = vector.load %arg2[%get3A_16, %get3A_17, %get3A_18, %get3A_19] : memref<1x18x1164x32xbf16, #tpu.memory_space<vmem>>, vector<1x1x1088x32xbf16>
      %get3A_21 = vector.shape_cast %get3A_20 : vector<1x1x1088x32xbf16> to vector<1088x32xbf16>
      %get3A_22 = arith.constant 0 : index
      %get3A_23 = arith.index_cast %add3A_10 : i32 to index
      %get3A_24 = arith.constant 2 : index
      %get3A_25 = arith.constant 0 : index
      %get3A_26 = vector.load %arg2[%get3A_22, %get3A_23, %get3A_24, %get3A_25] : memref<1x18x1164x32xbf16, #tpu.memory_space<vmem>>, vector<1x1x1088x32xbf16>
      %get3A_27 = vector.shape_cast %get3A_26 : vector<1x1x1088x32xbf16> to vector<1088x32xbf16>
      %get3A_28 = arith.constant 0 : index
      %get3A_29 = arith.index_cast %add3A_10 : i32 to index
      %get3A_30 = arith.constant 34 : index
      %get3A_31 = arith.constant 0 : index
      %get3A_32 = vector.load %arg2[%get3A_28, %get3A_29, %get3A_30, %get3A_31] : memref<1x18x1164x32xbf16, #tpu.memory_space<vmem>>, vector<1x1x1088x32xbf16>
      %get3A_33 = vector.shape_cast %get3A_32 : vector<1x1x1088x32xbf16> to vector<1088x32xbf16>
      %get3A_34 = arith.constant 0 : index
      %get3A_35 = arith.index_cast %add3A_10 : i32 to index
      %get3A_36 = arith.constant 35 : index
      %get3A_37 = arith.constant 0 : index
      %get3A_38 = vector.load %arg2[%get3A_34, %get3A_35, %get3A_36, %get3A_37] : memref<1x18x1164x32xbf16, #tpu.memory_space<vmem>>, vector<1x1x1088x32xbf16>
      %get3A_39 = vector.shape_cast %get3A_38 : vector<1x1x1088x32xbf16> to vector<1088x32xbf16>
      %get3A_40 = arith.constant 0 : index
      %get3A_41 = arith.index_cast %add3A_10 : i32 to index
      %get3A_42 = arith.constant 36 : index
      %get3A_43 = arith.constant 0 : index
      %get3A_44 = vector.load %arg2[%get3A_40, %get3A_41, %get3A_42, %get3A_43] : memref<1x18x1164x32xbf16, #tpu.memory_space<vmem>>, vector<1x1x1088x32xbf16>
      %get3A_45 = vector.shape_cast %get3A_44 : vector<1x1x1088x32xbf16> to vector<1088x32xbf16>
      %get3A_46 = arith.constant 0 : index
      %get3A_47 = arith.index_cast %add3A_10 : i32 to index
      %get3A_48 = arith.constant 68 : index
      %get3A_49 = arith.constant 0 : index
      %get3A_50 = vector.load %arg2[%get3A_46, %get3A_47, %get3A_48, %get3A_49] : memref<1x18x1164x32xbf16, #tpu.memory_space<vmem>>, vector<1x1x1088x32xbf16>
      %get3A_51 = vector.shape_cast %get3A_50 : vector<1x1x1088x32xbf16> to vector<1088x32xbf16>
      %get3A_52 = arith.constant 0 : index
      %get3A_53 = arith.index_cast %add3A_10 : i32 to index
      %get3A_54 = arith.constant 69 : index
      %get3A_55 = arith.constant 0 : index
      %get3A_56 = vector.load %arg2[%get3A_52, %get3A_53, %get3A_54, %get3A_55] : memref<1x18x1164x32xbf16, #tpu.memory_space<vmem>>, vector<1x1x1088x32xbf16>
      %get3A_57 = vector.shape_cast %get3A_56 : vector<1x1x1088x32xbf16> to vector<1088x32xbf16>
      %get3A_58 = arith.constant 0 : index
      %get3A_59 = arith.index_cast %add3A_10 : i32 to index
      %get3A_60 = arith.constant 70 : index
      %get3A_61 = arith.constant 0 : index
      %get3A_62 = vector.load %arg2[%get3A_58, %get3A_59, %get3A_60, %get3A_61] : memref<1x18x1164x32xbf16, #tpu.memory_space<vmem>>, vector<1x1x1088x32xbf16>
      %get3A_63 = vector.shape_cast %get3A_62 : vector<1x1x1088x32xbf16> to vector<1088x32xbf16>
      %add3A_64 = arith.constant 1 : i32
      %add3A_65 = arith.addi %sub3A_0, %add3A_64 : i32
      %add3A_66 = arith.constant 0 : i32
      %add3A_67 = arith.addi %add3A_65, %add3A_66 : i32
      %get3A_68 = arith.constant 0 : index
      %get3A_69 = arith.index_cast %add3A_67 : i32 to index
      %get3A_70 = arith.constant 0 : index
      %get3A_71 = arith.constant 0 : index
      %get3A_72 = vector.load %arg2[%get3A_68, %get3A_69, %get3A_70, %get3A_71] : memref<1x18x1164x32xbf16, #tpu.memory_space<vmem>>, vector<1x1x1088x32xbf16>
      %get3A_73 = vector.shape_cast %get3A_72 : vector<1x1x1088x32xbf16> to vector<1088x32xbf16>
      %get3A_74 = arith.constant 0 : index
      %get3A_75 = arith.index_cast %add3A_67 : i32 to index
      %get3A_76 = arith.constant 1 : index
      %get3A_77 = arith.constant 0 : index
      %get3A_78 = vector.load %arg2[%get3A_74, %get3A_75, %get3A_76, %get3A_77] : memref<1x18x1164x32xbf16, #tpu.memory_space<vmem>>, vector<1x1x1088x32xbf16>
      %get3A_79 = vector.shape_cast %get3A_78 : vector<1x1x1088x32xbf16> to vector<1088x32xbf16>
      %get3A_80 = arith.constant 0 : index
      %get3A_81 = arith.index_cast %add3A_67 : i32 to index
      %get3A_82 = arith.constant 2 : index
      %get3A_83 = arith.constant 0 : index
      %get3A_84 = vector.load %arg2[%get3A_80, %get3A_81, %get3A_82, %get3A_83] : memref<1x18x1164x32xbf16, #tpu.memory_space<vmem>>, vector<1x1x1088x32xbf16>
      %get3A_85 = vector.shape_cast %get3A_84 : vector<1x1x1088x32xbf16> to vector<1088x32xbf16>
      %get3A_86 = arith.constant 0 : index
      %get3A_87 = arith.index_cast %add3A_67 : i32 to index
      %get3A_88 = arith.constant 34 : index
      %get3A_89 = arith.constant 0 : index
      %get3A_90 = vector.load %arg2[%get3A_86, %get3A_87, %get3A_88, %get3A_89] : memref<1x18x1164x32xbf16, #tpu.memory_space<vmem>>, vector<1x1x1088x32xbf16>
      %get3A_91 = vector.shape_cast %get3A_90 : vector<1x1x1088x32xbf16> to vector<1088x32xbf16>
      %get3A_92 = arith.constant 0 : index
      %get3A_93 = arith.index_cast %add3A_67 : i32 to index
      %get3A_94 = arith.constant 35 : index
      %get3A_95 = arith.constant 0 : index
      %get3A_96 = vector.load %arg2[%get3A_92, %get3A_93, %get3A_94, %get3A_95] : memref<1x18x1164x32xbf16, #tpu.memory_space<vmem>>, vector<1x1x1088x32xbf16>
      %get3A_97 = vector.shape_cast %get3A_96 : vector<1x1x1088x32xbf16> to vector<1088x32xbf16>
      %get3A_98 = arith.constant 0 : index
      %get3A_99 = arith.index_cast %add3A_67 : i32 to index
      %get3A_100 = arith.constant 36 : index
      %get3A_101 = arith.constant 0 : index
      %get3A_102 = vector.load %arg2[%get3A_98, %get3A_99, %get3A_100, %get3A_101] : memref<1x18x1164x32xbf16, #tpu.memory_space<vmem>>, vector<1x1x1088x32xbf16>
      %get3A_103 = vector.shape_cast %get3A_102 : vector<1x1x1088x32xbf16> to vector<1088x32xbf16>
      %get3A_104 = arith.constant 0 : index
      %get3A_105 = arith.index_cast %add3A_67 : i32 to index
      %get3A_106 = arith.constant 68 : index
      %get3A_107 = arith.constant 0 : index
      %get3A_108 = vector.load %arg2[%get3A_104, %get3A_105, %get3A_106, %get3A_107] : memref<1x18x1164x32xbf16, #tpu.memory_space<vmem>>, vector<1x1x1088x32xbf16>
      %get3A_109 = vector.shape_cast %get3A_108 : vector<1x1x1088x32xbf16> to vector<1088x32xbf16>
      %get3A_110 = arith.constant 0 : index
      %get3A_111 = arith.index_cast %add3A_67 : i32 to index
      %get3A_112 = arith.constant 69 : index
      %get3A_113 = arith.constant 0 : index
      %get3A_114 = vector.load %arg2[%get3A_110, %get3A_111, %get3A_112, %get3A_113] : memref<1x18x1164x32xbf16, #tpu.memory_space<vmem>>, vector<1x1x1088x32xbf16>
      %get3A_115 = vector.shape_cast %get3A_114 : vector<1x1x1088x32xbf16> to vector<1088x32xbf16>
      %get3A_116 = arith.constant 0 : index
      %get3A_117 = arith.index_cast %add3A_67 : i32 to index
      %get3A_118 = arith.constant 70 : index
      %get3A_119 = arith.constant 0 : index
      %get3A_120 = vector.load %arg2[%get3A_116, %get3A_117, %get3A_118, %get3A_119] : memref<1x18x1164x32xbf16, #tpu.memory_space<vmem>>, vector<1x1x1088x32xbf16>
      %get3A_121 = vector.shape_cast %get3A_120 : vector<1x1x1088x32xbf16> to vector<1088x32xbf16>
      %add3A_122 = arith.constant 2 : i32
      %add3A_123 = arith.addi %sub3A_0, %add3A_122 : i32
      %add3A_124 = arith.constant 0 : i32
      %add3A_125 = arith.addi %add3A_123, %add3A_124 : i32
      %get3A_126 = arith.constant 0 : index
      %get3A_127 = arith.index_cast %add3A_125 : i32 to index
      %get3A_128 = arith.constant 0 : index
      %get3A_129 = arith.constant 0 : index
      %get3A_130 = vector.load %arg2[%get3A_126, %get3A_127, %get3A_128, %get3A_129] : memref<1x18x1164x32xbf16, #tpu.memory_space<vmem>>, vector<1x1x1088x32xbf16>
      %get3A_131 = vector.shape_cast %get3A_130 : vector<1x1x1088x32xbf16> to vector<1088x32xbf16>
      %get3A_132 = arith.constant 0 : index
      %get3A_133 = arith.index_cast %add3A_125 : i32 to index
      %get3A_134 = arith.constant 1 : index
      %get3A_135 = arith.constant 0 : index
      %get3A_136 = vector.load %arg2[%get3A_132, %get3A_133, %get3A_134, %get3A_135] : memref<1x18x1164x32xbf16, #tpu.memory_space<vmem>>, vector<1x1x1088x32xbf16>
      %get3A_137 = vector.shape_cast %get3A_136 : vector<1x1x1088x32xbf16> to vector<1088x32xbf16>
      %get3A_138 = arith.constant 0 : index
      %get3A_139 = arith.index_cast %add3A_125 : i32 to index
      %get3A_140 = arith.constant 2 : index
      %get3A_141 = arith.constant 0 : index
      %get3A_142 = vector.load %arg2[%get3A_138, %get3A_139, %get3A_140, %get3A_141] : memref<1x18x1164x32xbf16, #tpu.memory_space<vmem>>, vector<1x1x1088x32xbf16>
      %get3A_143 = vector.shape_cast %get3A_142 : vector<1x1x1088x32xbf16> to vector<1088x32xbf16>
      %get3A_144 = arith.constant 0 : index
      %get3A_145 = arith.index_cast %add3A_125 : i32 to index
      %get3A_146 = arith.constant 34 : index
      %get3A_147 = arith.constant 0 : index
      %get3A_148 = vector.load %arg2[%get3A_144, %get3A_145, %get3A_146, %get3A_147] : memref<1x18x1164x32xbf16, #tpu.memory_space<vmem>>, vector<1x1x1088x32xbf16>
      %get3A_149 = vector.shape_cast %get3A_148 : vector<1x1x1088x32xbf16> to vector<1088x32xbf16>
      %get3A_150 = arith.constant 0 : index
      %get3A_151 = arith.index_cast %add3A_125 : i32 to index
      %get3A_152 = arith.constant 35 : index
      %get3A_153 = arith.constant 0 : index
      %get3A_154 = vector.load %arg2[%get3A_150, %get3A_151, %get3A_152, %get3A_153] : memref<1x18x1164x32xbf16, #tpu.memory_space<vmem>>, vector<1x1x1088x32xbf16>
      %get3A_155 = vector.shape_cast %get3A_154 : vector<1x1x1088x32xbf16> to vector<1088x32xbf16>
      %get3A_156 = arith.constant 0 : index
      %get3A_157 = arith.index_cast %add3A_125 : i32 to index
      %get3A_158 = arith.constant 36 : index
      %get3A_159 = arith.constant 0 : index
      %get3A_160 = vector.load %arg2[%get3A_156, %get3A_157, %get3A_158, %get3A_159] : memref<1x18x1164x32xbf16, #tpu.memory_space<vmem>>, vector<1x1x1088x32xbf16>
      %get3A_161 = vector.shape_cast %get3A_160 : vector<1x1x1088x32xbf16> to vector<1088x32xbf16>
      %get3A_162 = arith.constant 0 : index
      %get3A_163 = arith.index_cast %add3A_125 : i32 to index
      %get3A_164 = arith.constant 68 : index
      %get3A_165 = arith.constant 0 : index
      %get3A_166 = vector.load %arg2[%get3A_162, %get3A_163, %get3A_164, %get3A_165] : memref<1x18x1164x32xbf16, #tpu.memory_space<vmem>>, vector<1x1x1088x32xbf16>
      %get3A_167 = vector.shape_cast %get3A_166 : vector<1x1x1088x32xbf16> to vector<1088x32xbf16>
      %get3A_168 = arith.constant 0 : index
      %get3A_169 = arith.index_cast %add3A_125 : i32 to index
      %get3A_170 = arith.constant 69 : index
      %get3A_171 = arith.constant 0 : index
      %get3A_172 = vector.load %arg2[%get3A_168, %get3A_169, %get3A_170, %get3A_171] : memref<1x18x1164x32xbf16, #tpu.memory_space<vmem>>, vector<1x1x1088x32xbf16>
      %get3A_173 = vector.shape_cast %get3A_172 : vector<1x1x1088x32xbf16> to vector<1088x32xbf16>
      %get3A_174 = arith.constant 0 : index
      %get3A_175 = arith.index_cast %add3A_125 : i32 to index
      %get3A_176 = arith.constant 70 : index
      %get3A_177 = arith.constant 0 : index
      %get3A_178 = vector.load %arg2[%get3A_174, %get3A_175, %get3A_176, %get3A_177] : memref<1x18x1164x32xbf16, #tpu.memory_space<vmem>>, vector<1x1x1088x32xbf16>
      %get3A_179 = vector.shape_cast %get3A_178 : vector<1x1x1088x32xbf16> to vector<1088x32xbf16>
      %concatenate3A = tpu.concatenate %get3A_15, %get3A_21, %get3A_27, %get3A_33, %get3A_39, %get3A_45, %get3A_51, %get3A_57, %get3A_63, %get3A_73, %get3A_79, %get3A_85, %get3A_91, %get3A_97, %get3A_103, %get3A_109, %get3A_115, %get3A_121, %get3A_131, %get3A_137, %get3A_143, %get3A_149, %get3A_155, %get3A_161, %get3A_167, %get3A_173, %get3A_179 in 1 : vector<1088x32xbf16>, vector<1088x32xbf16>, vector<1088x32xbf16>, vector<1088x32xbf16>, vector<1088x32xbf16>, vector<1088x32xbf16>, vector<1088x32xbf16>, vector<1088x32xbf16>, vector<1088x32xbf16>, vector<1088x32xbf16>, vector<1088x32xbf16>, vector<1088x32xbf16>, vector<1088x32xbf16>, vector<1088x32xbf16>, vector<1088x32xbf16>, vector<1088x32xbf16>, vector<1088x32xbf16>, vector<1088x32xbf16>, vector<1088x32xbf16>, vector<1088x32xbf16>, vector<1088x32xbf16>, vector<1088x32xbf16>, vector<1088x32xbf16>, vector<1088x32xbf16>, vector<1088x32xbf16>, vector<1088x32xbf16>, vector<1088x32xbf16> -> vector<1088x864xbf16>
      %get3A_180 = arith.constant 0 : index
      %get3A_181 = arith.constant 0 : index
      %get3A_182 = vector.load %arg3[%get3A_180, %get3A_181] : memref<864x64xbf16, #tpu.memory_space<vmem>>, vector<864x64xbf16>
      %dot_general3A = arith.constant dense<0.000000e+00> : vector<1088x64xf32>
      %dot_general3A_183 = tpu.matmul %concatenate3A, %get3A_182, %dot_general3A {dimension_numbers = #tpu.dot_dimension_numbers<[1], [0], [0], [1], [0, 0, 1, 1], [], []>, transpose_lhs_hint = false} : vector<1088x864xbf16>, vector<864x64xbf16>, vector<1088x64xf32> -> vector<1088x64xf32>
      %get3A_184 = arith.constant 0 : index
      %get3A_185 = arith.constant 0 : index
      %get3A_186 = vector.load %arg4[%get3A_184, %get3A_185] : memref<1x64xf32, #tpu.memory_space<vmem>>, vector<1x64xf32>
      %add3A_187 = vector.broadcast %get3A_186 : vector<1x64xf32> to vector<1088x64xf32>
      %add3A_188 = arith.addf %dot_general3A_183, %add3A_187 : vector<1088x64xf32>
      %max3A = arith.constant 0.000000e+00 : f32
      %max3A_189 = vector.broadcast %max3A : f32 to vector<1088x64xf32>
      %max3A_190 = arith.maximumf %add3A_188, %max3A_189 : vector<1088x64xf32>
      %iota3A = tpu.iota {dimensions = array<i32: 0>} : vector<1088x1xi32>
      %jit3A = arith.constant 34 : i32
      %eq3A = arith.constant 0 : i32
      %eq3A_191 = arith.cmpi eq, %jit3A, %eq3A : i32
      %jit3A_192 = arith.constant 1 : i32
      %select_n3A = arith.select %eq3A_191, %jit3A_192, %jit3A : i32
      %rem3A = vector.broadcast %select_n3A : i32 to vector<1088x1xi32>
      %rem3A_193 = arith.remsi %iota3A, %rem3A : vector<1088x1xi32>
      %ne3A = arith.constant 0 : i32
      %ne3A_194 = vector.broadcast %ne3A : i32 to vector<1088x1xi32>
      %ne3A_195 = arith.cmpi ne, %rem3A_193, %ne3A_194 : vector<1088x1xi32>
      %lt3A = arith.constant 0 : i32
      %lt3A_196 = vector.broadcast %lt3A : i32 to vector<1088x1xi32>
      %lt3A_197 = arith.cmpi slt, %rem3A_193, %lt3A_196 : vector<1088x1xi32>
      %lt3A_198 = arith.constant 0 : i32
      %lt3A_199 = arith.cmpi slt, %select_n3A, %lt3A_198 : i32
      %ne3A_200 = vector.broadcast %lt3A_199 : i1 to vector<1088x1xi1>
      %ne3A_201 = vector.broadcast %ne3A_200 : vector<1088x1xi1> to vector<1088x1xi1>
      %ne3A_202 = arith.xori %lt3A_197, %ne3A_201 : vector<1088x1xi1>
      %and3A_203 = arith.andi %ne3A_202, %ne3A_195 : vector<1088x1xi1>
      %add3A_204 = vector.broadcast %select_n3A : i32 to vector<1088x1xi32>
      %add3A_205 = arith.addi %rem3A_193, %add3A_204 : vector<1088x1xi32>
      %select_n3A_206 = arith.select %and3A_203, %add3A_205, %rem3A_193 : vector<1088x1xi1>, vector<1088x1xi32>
      %lt3A_207 = arith.constant 32 : i32
      %lt3A_208 = vector.broadcast %lt3A_207 : i32 to vector<1088x1xi32>
      %lt3A_209 = arith.cmpi slt, %select_n3A_206, %lt3A_208 : vector<1088x1xi32>
      %jit3A_210 = arith.constant 0.000000e+00 : f32
      %broadcast_in_dim3A = vector.shape_cast %lt3A_209 : vector<1088x1xi1> to vector<1088x1xi1>
      %broadcast_in_dim3A_211 = vector.broadcast %broadcast_in_dim3A : vector<1088x1xi1> to vector<1088x64xi1>
      %broadcast_in_dim3A_212 = vector.broadcast %jit3A_210 : f32 to vector<1088x64xf32>
      %select_n3A_213 = arith.select %broadcast_in_dim3A_211, %max3A_190, %broadcast_in_dim3A_212 : vector<1088x64xi1>, vector<1088x64xf32>
      %convert_element_type3A_214 = arith.truncf %select_n3A_213 : vector<1088x64xf32> to vector<1088x64xbf16>
      %broadcast_in_dim3A_215 = arith.constant 0.000000e+00 : bf16
      %broadcast_in_dim3A_216 = vector.broadcast %broadcast_in_dim3A_215 : bf16 to vector<35x64xbf16>
      %swap3A = arith.constant 0 : index
      %swap3A_217 = arith.constant 0 : index
      %swap3A_218 = arith.constant 0 : index
      %swap3A_219 = arith.constant 0 : index
      %swap3A_220 = vector.load %arg5[%swap3A, %swap3A_217, %swap3A_218, %swap3A_219] : memref<1x1x1164x64xbf16, #tpu.memory_space<vmem>>, vector<1x1x35x64xbf16>
      %swap3A_221 = vector.shape_cast %swap3A_220 : vector<1x1x35x64xbf16> to vector<35x64xbf16>
      %swap3A_222 = vector.shape_cast %broadcast_in_dim3A_216 : vector<35x64xbf16> to vector<1x1x35x64xbf16>
      tpu.vector_store %arg5[%swap3A, %swap3A_217, %swap3A_218, %swap3A_219], %swap3A_222 {strides = array<i32>} : memref<1x1x1164x64xbf16, #tpu.memory_space<vmem>>, vector<1x1x35x64xbf16>,
      %swap3A_223 = arith.constant 0 : index
      %swap3A_224 = arith.constant 0 : index
      %swap3A_225 = arith.constant 35 : index
      %swap3A_226 = arith.constant 0 : index
      %swap3A_227 = vector.load %arg5[%swap3A_223, %swap3A_224, %swap3A_225, %swap3A_226] : memref<1x1x1164x64xbf16, #tpu.memory_space<vmem>>, vector<1x1x1088x64xbf16>
      %swap3A_228 = vector.shape_cast %swap3A_227 : vector<1x1x1088x64xbf16> to vector<1088x64xbf16>
      %swap3A_229 = vector.shape_cast %convert_element_type3A_214 : vector<1088x64xbf16> to vector<1x1x1088x64xbf16>
      tpu.vector_store %arg5[%swap3A_223, %swap3A_224, %swap3A_225, %swap3A_226], %swap3A_229 {strides = array<i32>} : memref<1x1x1164x64xbf16, #tpu.memory_space<vmem>>, vector<1x1x1088x64xbf16>,
      %broadcast_in_dim3A_230 = arith.constant 0.000000e+00 : bf16
      %broadcast_in_dim3A_231 = vector.broadcast %broadcast_in_dim3A_230 : bf16 to vector<41x64xbf16>
      %swap3A_232 = arith.constant 0 : index
      %swap3A_233 = arith.constant 0 : index
      %swap3A_234 = arith.constant 1123 : index
      %swap3A_235 = arith.constant 0 : index
      %swap3A_236 = vector.load %arg5[%swap3A_232, %swap3A_233, %swap3A_234, %swap3A_235] : memref<1x1x1164x64xbf16, #tpu.memory_space<vmem>>, vector<1x1x41x64xbf16>
      %swap3A_237 = vector.shape_cast %swap3A_236 : vector<1x1x41x64xbf16> to vector<41x64xbf16>
      %swap3A_238 = vector.shape_cast %broadcast_in_dim3A_231 : vector<41x64xbf16> to vector<1x1x41x64xbf16>
      tpu.vector_store %arg5[%swap3A_232, %swap3A_233, %swap3A_234, %swap3A_235], %swap3A_238 {strides = array<i32>} : memref<1x1x1164x64xbf16, #tpu.memory_space<vmem>>, vector<1x1x41x64xbf16>,
    } else {
    }
    %not3A = arith.constant true
    %not3A_4 = arith.xori %and3A, %not3A : i1
    %convert_element_type3A_5 = arith.extui %not3A_4 : i1 to i32
    %cond3A_6 = arith.constant 0 : i32
    %cond3A_7 = arith.cmpi ne, %convert_element_type3A_5, %cond3A_6 : i32
    scf.if %cond3A_7 {
      %broadcast_in_dim3A = arith.constant 0.000000e+00 : bf16
      %broadcast_in_dim3A_8 = vector.broadcast %broadcast_in_dim3A : bf16 to vector<1164x64xbf16>
      %swap3A = arith.constant 0 : index
      %swap3A_9 = arith.constant 0 : index
      %swap3A_10 = arith.constant 0 : index
      %swap3A_11 = arith.constant 0 : index
      %swap3A_12 = vector.load %arg5[%swap3A, %swap3A_9, %swap3A_10, %swap3A_11] : memref<1x1x1164x64xbf16, #tpu.memory_space<vmem>>, vector<1x1x1164x64xbf16>
      %swap3A_13 = vector.shape_cast %swap3A_12 : vector<1x1x1164x64xbf16> to vector<1164x64xbf16>
      %swap3A_14 = vector.shape_cast %broadcast_in_dim3A_8 : vector<1164x64xbf16> to vector<1x1x1164x64xbf16>
      tpu.vector_store %arg5[%swap3A, %swap3A_9, %swap3A_10, %swap3A_11], %swap3A_14 {strides = array<i32>} : memref<1x1x1164x64xbf16, #tpu.memory_space<vmem>>, vector<1x1x1164x64xbf16>,
    } else {
    }
    return
  }
  func.func @transform_0(%arg0: i32, %arg1: i32) -> (i32, i32, i32, i32) {
    %c0_i32 = arith.constant 0 : i32
    %c0_i32_0 = arith.constant 0 : i32
    %c0_i32_1 = arith.constant 0 : i32
    %c0_i32_2 = arith.constant 0 : i32
    return %arg0, %c0_i32, %c0_i32_0, %c0_i32_1 : i32, i32, i32, i32
  }
  func.func @transform_1(%arg0: i32, %arg1: i32) -> (i32, i32) {
    %c0_i32 = arith.constant 0 : i32
    %c0_i32_0 = arith.constant 0 : i32
    %c0_i32_1 = arith.constant 0 : i32
    return %c0_i32, %c0_i32_0 : i32, i32
  }
  func.func @transform_2(%arg0: i32, %arg1: i32) -> (i32, i32) {
    %c0_i32 = arith.constant 0 : i32
    %c0_i32_0 = arith.constant 0 : i32
    %c0_i32_1 = arith.constant 0 : i32
    return %c0_i32, %c0_i32_0 : i32, i32
  }
  func.func @transform_3(%arg0: i32, %arg1: i32) -> (i32, i32, i32, i32) {
    %c0_i32 = arith.constant 0 : i32
    %c0_i32_0 = arith.constant 0 : i32
    %c0_i32_1 = arith.constant 0 : i32
    return %arg0, %arg1, %c0_i32, %c0_i32_0 : i32, i32, i32, i32
  }
}

module attributes {stable_mosaic.version = 14 : i64} {
  func.func @_conv_body(%arg0: i32, %arg1: i32, %arg2: memref<1x18x1164x64xbf16, #tpu.memory_space<vmem>>, %arg3: memref<1728x64xbf16, #tpu.memory_space<vmem>>, %arg4: memref<1x64xf32, #tpu.memory_space<vmem>>, %arg5: memref<1x1x1088x64xf32, #tpu.memory_space<vmem>>) attributes {dimension_semantics = [#tpu.dimension_semantics<arbitrary>, #tpu.dimension_semantics<arbitrary>], iteration_bounds = array<i64: 4, 16>, scalar_prefetch = 0 : i64, scratch_operands = 0 : i64, tpu.core_type = #tpu.core_type<tc>, window_params = [{transform_indices = @transform_0, window_bounds = array<i64: 1, 18, 1164, 64>}, {pipeline_mode = #tpu.pipeline_mode<synchronous>, transform_indices = @transform_1, window_bounds = array<i64: 1728, 64>}, {pipeline_mode = #tpu.pipeline_mode<synchronous>, transform_indices = @transform_2, window_bounds = array<i64: 1, 64>}, {transform_indices = @transform_3, window_bounds = array<i64: 1, 1, 1088, 64>}]} {
    %add3A = arith.constant 0 : i32
    %add3A_0 = arith.addi %arg1, %add3A : i32
    %add3A_1 = arith.constant 0 : i32
    %add3A_2 = arith.addi %add3A_0, %add3A_1 : i32
    %get3A = arith.constant 0 : index
    %get3A_3 = arith.index_cast %add3A_2 : i32 to index
    %get3A_4 = arith.constant 0 : index
    %get3A_5 = arith.constant 0 : index
    %get3A_6 = vector.load %arg2[%get3A, %get3A_3, %get3A_4, %get3A_5] : memref<1x18x1164x64xbf16, #tpu.memory_space<vmem>>, vector<1x1x1088x64xbf16>
    %get3A_7 = vector.shape_cast %get3A_6 : vector<1x1x1088x64xbf16> to vector<1088x64xbf16>
    %get3A_8 = arith.constant 0 : index
    %get3A_9 = arith.index_cast %add3A_2 : i32 to index
    %get3A_10 = arith.constant 1 : index
    %get3A_11 = arith.constant 0 : index
    %get3A_12 = vector.load %arg2[%get3A_8, %get3A_9, %get3A_10, %get3A_11] : memref<1x18x1164x64xbf16, #tpu.memory_space<vmem>>, vector<1x1x1088x64xbf16>
    %get3A_13 = vector.shape_cast %get3A_12 : vector<1x1x1088x64xbf16> to vector<1088x64xbf16>
    %get3A_14 = arith.constant 0 : index
    %get3A_15 = arith.index_cast %add3A_2 : i32 to index
    %get3A_16 = arith.constant 2 : index
    %get3A_17 = arith.constant 0 : index
    %get3A_18 = vector.load %arg2[%get3A_14, %get3A_15, %get3A_16, %get3A_17] : memref<1x18x1164x64xbf16, #tpu.memory_space<vmem>>, vector<1x1x1088x64xbf16>
    %get3A_19 = vector.shape_cast %get3A_18 : vector<1x1x1088x64xbf16> to vector<1088x64xbf16>
    %get3A_20 = arith.constant 0 : index
    %get3A_21 = arith.index_cast %add3A_2 : i32 to index
    %get3A_22 = arith.constant 34 : index
    %get3A_23 = arith.constant 0 : index
    %get3A_24 = vector.load %arg2[%get3A_20, %get3A_21, %get3A_22, %get3A_23] : memref<1x18x1164x64xbf16, #tpu.memory_space<vmem>>, vector<1x1x1088x64xbf16>
    %get3A_25 = vector.shape_cast %get3A_24 : vector<1x1x1088x64xbf16> to vector<1088x64xbf16>
    %get3A_26 = arith.constant 0 : index
    %get3A_27 = arith.index_cast %add3A_2 : i32 to index
    %get3A_28 = arith.constant 35 : index
    %get3A_29 = arith.constant 0 : index
    %get3A_30 = vector.load %arg2[%get3A_26, %get3A_27, %get3A_28, %get3A_29] : memref<1x18x1164x64xbf16, #tpu.memory_space<vmem>>, vector<1x1x1088x64xbf16>
    %get3A_31 = vector.shape_cast %get3A_30 : vector<1x1x1088x64xbf16> to vector<1088x64xbf16>
    %get3A_32 = arith.constant 0 : index
    %get3A_33 = arith.index_cast %add3A_2 : i32 to index
    %get3A_34 = arith.constant 36 : index
    %get3A_35 = arith.constant 0 : index
    %get3A_36 = vector.load %arg2[%get3A_32, %get3A_33, %get3A_34, %get3A_35] : memref<1x18x1164x64xbf16, #tpu.memory_space<vmem>>, vector<1x1x1088x64xbf16>
    %get3A_37 = vector.shape_cast %get3A_36 : vector<1x1x1088x64xbf16> to vector<1088x64xbf16>
    %get3A_38 = arith.constant 0 : index
    %get3A_39 = arith.index_cast %add3A_2 : i32 to index
    %get3A_40 = arith.constant 68 : index
    %get3A_41 = arith.constant 0 : index
    %get3A_42 = vector.load %arg2[%get3A_38, %get3A_39, %get3A_40, %get3A_41] : memref<1x18x1164x64xbf16, #tpu.memory_space<vmem>>, vector<1x1x1088x64xbf16>
    %get3A_43 = vector.shape_cast %get3A_42 : vector<1x1x1088x64xbf16> to vector<1088x64xbf16>
    %get3A_44 = arith.constant 0 : index
    %get3A_45 = arith.index_cast %add3A_2 : i32 to index
    %get3A_46 = arith.constant 69 : index
    %get3A_47 = arith.constant 0 : index
    %get3A_48 = vector.load %arg2[%get3A_44, %get3A_45, %get3A_46, %get3A_47] : memref<1x18x1164x64xbf16, #tpu.memory_space<vmem>>, vector<1x1x1088x64xbf16>
    %get3A_49 = vector.shape_cast %get3A_48 : vector<1x1x1088x64xbf16> to vector<1088x64xbf16>
    %get3A_50 = arith.constant 0 : index
    %get3A_51 = arith.index_cast %add3A_2 : i32 to index
    %get3A_52 = arith.constant 70 : index
    %get3A_53 = arith.constant 0 : index
    %get3A_54 = vector.load %arg2[%get3A_50, %get3A_51, %get3A_52, %get3A_53] : memref<1x18x1164x64xbf16, #tpu.memory_space<vmem>>, vector<1x1x1088x64xbf16>
    %get3A_55 = vector.shape_cast %get3A_54 : vector<1x1x1088x64xbf16> to vector<1088x64xbf16>
    %add3A_56 = arith.constant 1 : i32
    %add3A_57 = arith.addi %arg1, %add3A_56 : i32
    %add3A_58 = arith.constant 0 : i32
    %add3A_59 = arith.addi %add3A_57, %add3A_58 : i32
    %get3A_60 = arith.constant 0 : index
    %get3A_61 = arith.index_cast %add3A_59 : i32 to index
    %get3A_62 = arith.constant 0 : index
    %get3A_63 = arith.constant 0 : index
    %get3A_64 = vector.load %arg2[%get3A_60, %get3A_61, %get3A_62, %get3A_63] : memref<1x18x1164x64xbf16, #tpu.memory_space<vmem>>, vector<1x1x1088x64xbf16>
    %get3A_65 = vector.shape_cast %get3A_64 : vector<1x1x1088x64xbf16> to vector<1088x64xbf16>
    %get3A_66 = arith.constant 0 : index
    %get3A_67 = arith.index_cast %add3A_59 : i32 to index
    %get3A_68 = arith.constant 1 : index
    %get3A_69 = arith.constant 0 : index
    %get3A_70 = vector.load %arg2[%get3A_66, %get3A_67, %get3A_68, %get3A_69] : memref<1x18x1164x64xbf16, #tpu.memory_space<vmem>>, vector<1x1x1088x64xbf16>
    %get3A_71 = vector.shape_cast %get3A_70 : vector<1x1x1088x64xbf16> to vector<1088x64xbf16>
    %get3A_72 = arith.constant 0 : index
    %get3A_73 = arith.index_cast %add3A_59 : i32 to index
    %get3A_74 = arith.constant 2 : index
    %get3A_75 = arith.constant 0 : index
    %get3A_76 = vector.load %arg2[%get3A_72, %get3A_73, %get3A_74, %get3A_75] : memref<1x18x1164x64xbf16, #tpu.memory_space<vmem>>, vector<1x1x1088x64xbf16>
    %get3A_77 = vector.shape_cast %get3A_76 : vector<1x1x1088x64xbf16> to vector<1088x64xbf16>
    %get3A_78 = arith.constant 0 : index
    %get3A_79 = arith.index_cast %add3A_59 : i32 to index
    %get3A_80 = arith.constant 34 : index
    %get3A_81 = arith.constant 0 : index
    %get3A_82 = vector.load %arg2[%get3A_78, %get3A_79, %get3A_80, %get3A_81] : memref<1x18x1164x64xbf16, #tpu.memory_space<vmem>>, vector<1x1x1088x64xbf16>
    %get3A_83 = vector.shape_cast %get3A_82 : vector<1x1x1088x64xbf16> to vector<1088x64xbf16>
    %get3A_84 = arith.constant 0 : index
    %get3A_85 = arith.index_cast %add3A_59 : i32 to index
    %get3A_86 = arith.constant 35 : index
    %get3A_87 = arith.constant 0 : index
    %get3A_88 = vector.load %arg2[%get3A_84, %get3A_85, %get3A_86, %get3A_87] : memref<1x18x1164x64xbf16, #tpu.memory_space<vmem>>, vector<1x1x1088x64xbf16>
    %get3A_89 = vector.shape_cast %get3A_88 : vector<1x1x1088x64xbf16> to vector<1088x64xbf16>
    %get3A_90 = arith.constant 0 : index
    %get3A_91 = arith.index_cast %add3A_59 : i32 to index
    %get3A_92 = arith.constant 36 : index
    %get3A_93 = arith.constant 0 : index
    %get3A_94 = vector.load %arg2[%get3A_90, %get3A_91, %get3A_92, %get3A_93] : memref<1x18x1164x64xbf16, #tpu.memory_space<vmem>>, vector<1x1x1088x64xbf16>
    %get3A_95 = vector.shape_cast %get3A_94 : vector<1x1x1088x64xbf16> to vector<1088x64xbf16>
    %get3A_96 = arith.constant 0 : index
    %get3A_97 = arith.index_cast %add3A_59 : i32 to index
    %get3A_98 = arith.constant 68 : index
    %get3A_99 = arith.constant 0 : index
    %get3A_100 = vector.load %arg2[%get3A_96, %get3A_97, %get3A_98, %get3A_99] : memref<1x18x1164x64xbf16, #tpu.memory_space<vmem>>, vector<1x1x1088x64xbf16>
    %get3A_101 = vector.shape_cast %get3A_100 : vector<1x1x1088x64xbf16> to vector<1088x64xbf16>
    %get3A_102 = arith.constant 0 : index
    %get3A_103 = arith.index_cast %add3A_59 : i32 to index
    %get3A_104 = arith.constant 69 : index
    %get3A_105 = arith.constant 0 : index
    %get3A_106 = vector.load %arg2[%get3A_102, %get3A_103, %get3A_104, %get3A_105] : memref<1x18x1164x64xbf16, #tpu.memory_space<vmem>>, vector<1x1x1088x64xbf16>
    %get3A_107 = vector.shape_cast %get3A_106 : vector<1x1x1088x64xbf16> to vector<1088x64xbf16>
    %get3A_108 = arith.constant 0 : index
    %get3A_109 = arith.index_cast %add3A_59 : i32 to index
    %get3A_110 = arith.constant 70 : index
    %get3A_111 = arith.constant 0 : index
    %get3A_112 = vector.load %arg2[%get3A_108, %get3A_109, %get3A_110, %get3A_111] : memref<1x18x1164x64xbf16, #tpu.memory_space<vmem>>, vector<1x1x1088x64xbf16>
    %get3A_113 = vector.shape_cast %get3A_112 : vector<1x1x1088x64xbf16> to vector<1088x64xbf16>
    %add3A_114 = arith.constant 2 : i32
    %add3A_115 = arith.addi %arg1, %add3A_114 : i32
    %add3A_116 = arith.constant 0 : i32
    %add3A_117 = arith.addi %add3A_115, %add3A_116 : i32
    %get3A_118 = arith.constant 0 : index
    %get3A_119 = arith.index_cast %add3A_117 : i32 to index
    %get3A_120 = arith.constant 0 : index
    %get3A_121 = arith.constant 0 : index
    %get3A_122 = vector.load %arg2[%get3A_118, %get3A_119, %get3A_120, %get3A_121] : memref<1x18x1164x64xbf16, #tpu.memory_space<vmem>>, vector<1x1x1088x64xbf16>
    %get3A_123 = vector.shape_cast %get3A_122 : vector<1x1x1088x64xbf16> to vector<1088x64xbf16>
    %get3A_124 = arith.constant 0 : index
    %get3A_125 = arith.index_cast %add3A_117 : i32 to index
    %get3A_126 = arith.constant 1 : index
    %get3A_127 = arith.constant 0 : index
    %get3A_128 = vector.load %arg2[%get3A_124, %get3A_125, %get3A_126, %get3A_127] : memref<1x18x1164x64xbf16, #tpu.memory_space<vmem>>, vector<1x1x1088x64xbf16>
    %get3A_129 = vector.shape_cast %get3A_128 : vector<1x1x1088x64xbf16> to vector<1088x64xbf16>
    %get3A_130 = arith.constant 0 : index
    %get3A_131 = arith.index_cast %add3A_117 : i32 to index
    %get3A_132 = arith.constant 2 : index
    %get3A_133 = arith.constant 0 : index
    %get3A_134 = vector.load %arg2[%get3A_130, %get3A_131, %get3A_132, %get3A_133] : memref<1x18x1164x64xbf16, #tpu.memory_space<vmem>>, vector<1x1x1088x64xbf16>
    %get3A_135 = vector.shape_cast %get3A_134 : vector<1x1x1088x64xbf16> to vector<1088x64xbf16>
    %get3A_136 = arith.constant 0 : index
    %get3A_137 = arith.index_cast %add3A_117 : i32 to index
    %get3A_138 = arith.constant 34 : index
    %get3A_139 = arith.constant 0 : index
    %get3A_140 = vector.load %arg2[%get3A_136, %get3A_137, %get3A_138, %get3A_139] : memref<1x18x1164x64xbf16, #tpu.memory_space<vmem>>, vector<1x1x1088x64xbf16>
    %get3A_141 = vector.shape_cast %get3A_140 : vector<1x1x1088x64xbf16> to vector<1088x64xbf16>
    %get3A_142 = arith.constant 0 : index
    %get3A_143 = arith.index_cast %add3A_117 : i32 to index
    %get3A_144 = arith.constant 35 : index
    %get3A_145 = arith.constant 0 : index
    %get3A_146 = vector.load %arg2[%get3A_142, %get3A_143, %get3A_144, %get3A_145] : memref<1x18x1164x64xbf16, #tpu.memory_space<vmem>>, vector<1x1x1088x64xbf16>
    %get3A_147 = vector.shape_cast %get3A_146 : vector<1x1x1088x64xbf16> to vector<1088x64xbf16>
    %get3A_148 = arith.constant 0 : index
    %get3A_149 = arith.index_cast %add3A_117 : i32 to index
    %get3A_150 = arith.constant 36 : index
    %get3A_151 = arith.constant 0 : index
    %get3A_152 = vector.load %arg2[%get3A_148, %get3A_149, %get3A_150, %get3A_151] : memref<1x18x1164x64xbf16, #tpu.memory_space<vmem>>, vector<1x1x1088x64xbf16>
    %get3A_153 = vector.shape_cast %get3A_152 : vector<1x1x1088x64xbf16> to vector<1088x64xbf16>
    %get3A_154 = arith.constant 0 : index
    %get3A_155 = arith.index_cast %add3A_117 : i32 to index
    %get3A_156 = arith.constant 68 : index
    %get3A_157 = arith.constant 0 : index
    %get3A_158 = vector.load %arg2[%get3A_154, %get3A_155, %get3A_156, %get3A_157] : memref<1x18x1164x64xbf16, #tpu.memory_space<vmem>>, vector<1x1x1088x64xbf16>
    %get3A_159 = vector.shape_cast %get3A_158 : vector<1x1x1088x64xbf16> to vector<1088x64xbf16>
    %get3A_160 = arith.constant 0 : index
    %get3A_161 = arith.index_cast %add3A_117 : i32 to index
    %get3A_162 = arith.constant 69 : index
    %get3A_163 = arith.constant 0 : index
    %get3A_164 = vector.load %arg2[%get3A_160, %get3A_161, %get3A_162, %get3A_163] : memref<1x18x1164x64xbf16, #tpu.memory_space<vmem>>, vector<1x1x1088x64xbf16>
    %get3A_165 = vector.shape_cast %get3A_164 : vector<1x1x1088x64xbf16> to vector<1088x64xbf16>
    %get3A_166 = arith.constant 0 : index
    %get3A_167 = arith.index_cast %add3A_117 : i32 to index
    %get3A_168 = arith.constant 70 : index
    %get3A_169 = arith.constant 0 : index
    %get3A_170 = vector.load %arg2[%get3A_166, %get3A_167, %get3A_168, %get3A_169] : memref<1x18x1164x64xbf16, #tpu.memory_space<vmem>>, vector<1x1x1088x64xbf16>
    %get3A_171 = vector.shape_cast %get3A_170 : vector<1x1x1088x64xbf16> to vector<1088x64xbf16>
    %concatenate3A = tpu.concatenate %get3A_7, %get3A_13, %get3A_19, %get3A_25, %get3A_31, %get3A_37, %get3A_43, %get3A_49, %get3A_55, %get3A_65, %get3A_71, %get3A_77, %get3A_83, %get3A_89, %get3A_95, %get3A_101, %get3A_107, %get3A_113, %get3A_123, %get3A_129, %get3A_135, %get3A_141, %get3A_147, %get3A_153, %get3A_159, %get3A_165, %get3A_171 in 1 : vector<1088x64xbf16>, vector<1088x64xbf16>, vector<1088x64xbf16>, vector<1088x64xbf16>, vector<1088x64xbf16>, vector<1088x64xbf16>, vector<1088x64xbf16>, vector<1088x64xbf16>, vector<1088x64xbf16>, vector<1088x64xbf16>, vector<1088x64xbf16>, vector<1088x64xbf16>, vector<1088x64xbf16>, vector<1088x64xbf16>, vector<1088x64xbf16>, vector<1088x64xbf16>, vector<1088x64xbf16>, vector<1088x64xbf16>, vector<1088x64xbf16>, vector<1088x64xbf16>, vector<1088x64xbf16>, vector<1088x64xbf16>, vector<1088x64xbf16>, vector<1088x64xbf16>, vector<1088x64xbf16>, vector<1088x64xbf16>, vector<1088x64xbf16> -> vector<1088x1728xbf16>
    %get3A_172 = arith.constant 0 : index
    %get3A_173 = arith.constant 0 : index
    %get3A_174 = vector.load %arg3[%get3A_172, %get3A_173] : memref<1728x64xbf16, #tpu.memory_space<vmem>>, vector<1728x64xbf16>
    %dot_general3A = arith.constant dense<0.000000e+00> : vector<1088x64xf32>
    %dot_general3A_175 = tpu.matmul %concatenate3A, %get3A_174, %dot_general3A {dimension_numbers = #tpu.dot_dimension_numbers<[1], [0], [0], [1], [0, 0, 1, 1], [], []>, transpose_lhs_hint = false} : vector<1088x1728xbf16>, vector<1728x64xbf16>, vector<1088x64xf32> -> vector<1088x64xf32>
    %get3A_176 = arith.constant 0 : index
    %get3A_177 = arith.constant 0 : index
    %get3A_178 = vector.load %arg4[%get3A_176, %get3A_177] : memref<1x64xf32, #tpu.memory_space<vmem>>, vector<1x64xf32>
    %add3A_179 = vector.broadcast %get3A_178 : vector<1x64xf32> to vector<1088x64xf32>
    %add3A_180 = arith.addf %dot_general3A_175, %add3A_179 : vector<1088x64xf32>
    %swap3A = arith.constant 0 : index
    %swap3A_181 = arith.constant 0 : index
    %swap3A_182 = arith.constant 0 : index
    %swap3A_183 = arith.constant 0 : index
    %swap3A_184 = vector.load %arg5[%swap3A, %swap3A_181, %swap3A_182, %swap3A_183] : memref<1x1x1088x64xf32, #tpu.memory_space<vmem>>, vector<1x1x1088x64xf32>
    %swap3A_185 = vector.shape_cast %swap3A_184 : vector<1x1x1088x64xf32> to vector<1088x64xf32>
    %swap3A_186 = vector.shape_cast %add3A_180 : vector<1088x64xf32> to vector<1x1x1088x64xf32>
    tpu.vector_store %arg5[%swap3A, %swap3A_181, %swap3A_182, %swap3A_183], %swap3A_186 {strides = array<i32>} : memref<1x1x1088x64xf32, #tpu.memory_space<vmem>>, vector<1x1x1088x64xf32>,
    return
  }
  func.func @transform_0(%arg0: i32, %arg1: i32) -> (i32, i32, i32, i32) {
    %c0_i32 = arith.constant 0 : i32
    %c0_i32_0 = arith.constant 0 : i32
    %c0_i32_1 = arith.constant 0 : i32
    %c0_i32_2 = arith.constant 0 : i32
    return %arg0, %c0_i32, %c0_i32_0, %c0_i32_1 : i32, i32, i32, i32
  }
  func.func @transform_1(%arg0: i32, %arg1: i32) -> (i32, i32) {
    %c0_i32 = arith.constant 0 : i32
    %c0_i32_0 = arith.constant 0 : i32
    %c0_i32_1 = arith.constant 0 : i32
    return %c0_i32, %c0_i32_0 : i32, i32
  }
  func.func @transform_2(%arg0: i32, %arg1: i32) -> (i32, i32) {
    %c0_i32 = arith.constant 0 : i32
    %c0_i32_0 = arith.constant 0 : i32
    %c0_i32_1 = arith.constant 0 : i32
    return %c0_i32, %c0_i32_0 : i32, i32
  }
  func.func @transform_3(%arg0: i32, %arg1: i32) -> (i32, i32, i32, i32) {
    %c0_i32 = arith.constant 0 : i32
    %c0_i32_0 = arith.constant 0 : i32
    %c0_i32_1 = arith.constant 0 : i32
    return %arg0, %arg1, %c0_i32, %c0_i32_0 : i32, i32, i32, i32
  }
}

module attributes {stable_mosaic.version = 14 : i64} {
  func.func @_vq_body(%arg0: i32, %arg1: memref<1x1088x64xf32, #tpu.memory_space<vmem>>, %arg2: memref<64x512xf32, #tpu.memory_space<vmem>>, %arg3: memref<1x512xf32, #tpu.memory_space<vmem>>, %arg4: memref<1x1x1088xi32, #tpu.memory_space<vmem>>, %arg5: memref<1x512xf32, #tpu.memory_space<vmem>>, %arg6: memref<1x1xf32, #tpu.memory_space<vmem>>, %arg7: memref<1x1xf32, #tpu.memory_space<vmem>>) attributes {dimension_semantics = [#tpu.dimension_semantics<arbitrary>], iteration_bounds = array<i64: 64>, scalar_prefetch = 0 : i64, scratch_operands = 0 : i64, tpu.core_type = #tpu.core_type<tc>, window_params = [{transform_indices = @transform_0, window_bounds = array<i64: 1, 1088, 64>}, {pipeline_mode = #tpu.pipeline_mode<synchronous>, transform_indices = @transform_1, window_bounds = array<i64: 64, 512>}, {pipeline_mode = #tpu.pipeline_mode<synchronous>, transform_indices = @transform_2, window_bounds = array<i64: 1, 512>}, {transform_indices = @transform_3, window_bounds = array<i64: 1, 1, 1088>}, {pipeline_mode = #tpu.pipeline_mode<synchronous>, transform_indices = @transform_4, window_bounds = array<i64: 1, 512>}, {pipeline_mode = #tpu.pipeline_mode<synchronous>, transform_indices = @transform_5, window_bounds = array<i64: 1, 1>}, {pipeline_mode = #tpu.pipeline_mode<synchronous>, transform_indices = @transform_6, window_bounds = array<i64: 1, 1>}]} {
    %get3A = arith.constant 0 : index
    %get3A_0 = arith.constant 0 : index
    %get3A_1 = arith.constant 0 : index
    %get3A_2 = vector.load %arg1[%get3A, %get3A_0, %get3A_1] : memref<1x1088x64xf32, #tpu.memory_space<vmem>>, vector<1x1088x64xf32>
    %get3A_3 = vector.shape_cast %get3A_2 : vector<1x1088x64xf32> to vector<1088x64xf32>
    %get3A_4 = arith.constant 0 : index
    %get3A_5 = arith.constant 0 : index
    %get3A_6 = vector.load %arg2[%get3A_4, %get3A_5] : memref<64x512xf32, #tpu.memory_space<vmem>>, vector<64x512xf32>
    %dot_general3A = arith.constant dense<0.000000e+00> : vector<1088x512xf32>
    %dot_general3A_7 = tpu.matmul %get3A_3, %get3A_6, %dot_general3A {dimension_numbers = #tpu.dot_dimension_numbers<[1], [0], [0], [1], [0, 0, 1, 1], [], []>, transpose_lhs_hint = false} : vector<1088x64xf32>, vector<64x512xf32>, vector<1088x512xf32> -> vector<1088x512xf32>
    %mul3A = arith.mulf %get3A_3, %get3A_3 : vector<1088x64xf32>
    %reduce_sum3A = arith.constant dense<0.000000e+00> : vector<1088xf32>
    %reduce_sum3A_8 = vector.multi_reduction <add>, %mul3A, %reduce_sum3A [1] : vector<1088x64xf32> to vector<1088xf32>
    %broadcast_in_dim3A = vector.shape_cast %reduce_sum3A_8 : vector<1088xf32> to vector<1088x1xf32>
    %get3A_9 = arith.constant 0 : index
    %get3A_10 = arith.constant 0 : index
    %get3A_11 = vector.load %arg3[%get3A_9, %get3A_10] : memref<1x512xf32, #tpu.memory_space<vmem>>, vector<1x512xf32>
    %add3A = vector.broadcast %broadcast_in_dim3A : vector<1088x1xf32> to vector<1088x512xf32>
    %add3A_12 = vector.broadcast %get3A_11 : vector<1x512xf32> to vector<1088x512xf32>
    %add3A_13 = arith.addf %add3A, %add3A_12 : vector<1088x512xf32>
    %mul3A_14 = arith.constant 2.000000e+00 : f32
    %mul3A_15 = vector.broadcast %mul3A_14 : f32 to vector<1088x512xf32>
    %mul3A_16 = arith.mulf %mul3A_15, %dot_general3A_7 : vector<1088x512xf32>
    %sub3A = arith.subf %add3A_13, %mul3A_16 : vector<1088x512xf32>
    %argmin3A = tpu.reduce_index %sub3A {axis = 1 : i32, kind = #tpu.reduction_kind<arg_min>} : vector<1088x512xf32> -> vector<1088xi32>
    %iota3A = tpu.iota {dimensions = array<i32: 1>} : vector<1x1088xi32>
    %iota3A_17 = vector.shape_cast %iota3A : vector<1x1088xi32> to vector<1088xi32>
    %jit3A = arith.constant 34 : i32
    %eq3A = arith.constant 0 : i32
    %eq3A_18 = arith.cmpi eq, %jit3A, %eq3A : i32
    %jit3A_19 = arith.constant 1 : i32
    %select_n3A = arith.select %eq3A_18, %jit3A_19, %jit3A : i32
    %rem3A = vector.broadcast %select_n3A : i32 to vector<1088xi32>
    %rem3A_20 = arith.remsi %iota3A_17, %rem3A : vector<1088xi32>
    %ne3A = arith.constant 0 : i32
    %ne3A_21 = vector.broadcast %ne3A : i32 to vector<1088xi32>
    %ne3A_22 = arith.cmpi ne, %rem3A_20, %ne3A_21 : vector<1088xi32>
    %lt3A = arith.constant 0 : i32
    %lt3A_23 = vector.broadcast %lt3A : i32 to vector<1088xi32>
    %lt3A_24 = arith.cmpi slt, %rem3A_20, %lt3A_23 : vector<1088xi32>
    %lt3A_25 = arith.constant 0 : i32
    %lt3A_26 = arith.cmpi slt, %select_n3A, %lt3A_25 : i32
    %ne3A_27 = vector.broadcast %lt3A_26 : i1 to vector<1088xi1>
    %ne3A_28 = vector.broadcast %ne3A_27 : vector<1088xi1> to vector<1088xi1>
    %ne3A_29 = arith.xori %lt3A_24, %ne3A_28 : vector<1088xi1>
    %and3A = arith.andi %ne3A_29, %ne3A_22 : vector<1088xi1>
    %add3A_30 = vector.broadcast %select_n3A : i32 to vector<1088xi32>
    %add3A_31 = arith.addi %rem3A_20, %add3A_30 : vector<1088xi32>
    %select_n3A_32 = arith.select %and3A, %add3A_31, %rem3A_20 : vector<1088xi1>, vector<1088xi32>
    %lt3A_33 = arith.constant 32 : i32
    %lt3A_34 = vector.broadcast %lt3A_33 : i32 to vector<1088xi32>
    %lt3A_35 = arith.cmpi slt, %select_n3A_32, %lt3A_34 : vector<1088xi32>
    %jit3A_36 = arith.constant 512 : i32
    %broadcast_in_dim3A_37 = vector.broadcast %jit3A_36 : i32 to vector<1088xi32>
    %select_n3A_38 = arith.select %lt3A_35, %argmin3A, %broadcast_in_dim3A_37 : vector<1088xi1>, vector<1088xi32>
    %reduce_min3A = arith.constant dense<0x7F800000> : vector<1088xf32>
    %reduce_min3A_39 = vector.multi_reduction <minimumf>, %sub3A, %reduce_min3A [1] : vector<1088x512xf32> to vector<1088xf32>
    %jit3A_40 = arith.constant 0.000000e+00 : f32
    %broadcast_in_dim3A_41 = vector.broadcast %jit3A_40 : f32 to vector<1088xf32>
    %select_n3A_42 = arith.select %lt3A_35, %reduce_min3A_39, %broadcast_in_dim3A_41 : vector<1088xi1>, vector<1088xf32>
    %reduce_sum3A_43 = vector.shape_cast %select_n3A_42 : vector<1088xf32> to vector<1x1088xf32>
    %reduce_sum3A_44 = arith.constant dense<0.000000e+00> : vector<1xf32>
    %reduce_sum3A_45 = vector.multi_reduction <add>, %reduce_sum3A_43, %reduce_sum3A_44 [1] : vector<1x1088xf32> to vector<1xf32>
    %reduce_sum3A_46 = vector.shape_cast %reduce_sum3A_45 : vector<1xf32> to vector<1x1xf32>
    %reduce_sum3A_47 = vector.extract %reduce_sum3A_46[0, 0] : f32 from vector<1x1xf32>
    %reshape3A = vector.broadcast %reduce_sum3A_47 : f32 to vector<1x1xf32>
    %swap3A = arith.constant 0 : index
    %swap3A_48 = arith.constant 0 : index
    %swap3A_49 = arith.constant 0 : index
    %swap3A_50 = vector.load %arg4[%swap3A, %swap3A_48, %swap3A_49] : memref<1x1x1088xi32, #tpu.memory_space<vmem>>, vector<1x1x1088xi32>
    %swap3A_51 = vector.shape_cast %swap3A_50 : vector<1x1x1088xi32> to vector<1088xi32>
    %swap3A_52 = vector.shape_cast %select_n3A_38 : vector<1088xi32> to vector<1x1x1088xi32>
    tpu.vector_store %arg4[%swap3A, %swap3A_48, %swap3A_49], %swap3A_52 {strides = array<i32>} : memref<1x1x1088xi32, #tpu.memory_space<vmem>>, vector<1x1x1088xi32>,
    %iota3A_53 = tpu.iota {dimensions = array<i32: 1>} : vector<1088x512xi32>
    %broadcast_in_dim3A_54 = vector.shape_cast %select_n3A_38 : vector<1088xi32> to vector<1088x1xi32>
    %eq3A_55 = vector.broadcast %broadcast_in_dim3A_54 : vector<1088x1xi32> to vector<1088x512xi32>
    %eq3A_56 = arith.cmpi eq, %iota3A_53, %eq3A_55 : vector<1088x512xi32>
    %convert_element_type3A = arith.extui %eq3A_56 : vector<1088x512xi1> to vector<1088x512xi32>
    %convert_element_type3A_57 = arith.sitofp %convert_element_type3A : vector<1088x512xi32> to vector<1088x512xf32>
    %reduce_sum3A_58 = arith.constant dense<0.000000e+00> : vector<512xf32>
    %reduce_sum3A_59 = vector.multi_reduction <add>, %convert_element_type3A_57, %reduce_sum3A_58 [0] : vector<1088x512xf32> to vector<512xf32>
    %eq3A_60 = arith.constant 0 : i32
    %eq3A_61 = arith.cmpi eq, %arg0, %eq3A_60 : i32
    %convert_element_type3A_62 = arith.extui %eq3A_61 : i1 to i32
    %cond3A = arith.constant 0 : i32
    %cond3A_63 = arith.cmpi ne, %convert_element_type3A_62, %cond3A : i32
    scf.if %cond3A_63 {
      %swap3A_73 = arith.constant 0 : index
      %swap3A_74 = arith.constant 0 : index
      %swap3A_75 = vector.load %arg5[%swap3A_73, %swap3A_74] : memref<1x512xf32, #tpu.memory_space<vmem>>, vector<1x512xf32>
      %swap3A_76 = vector.shape_cast %swap3A_75 : vector<1x512xf32> to vector<512xf32>
      %swap3A_77 = vector.shape_cast %reduce_sum3A_59 : vector<512xf32> to vector<1x512xf32>
      tpu.vector_store %arg5[%swap3A_73, %swap3A_74], %swap3A_77 {strides = array<i32>} : memref<1x512xf32, #tpu.memory_space<vmem>>, vector<1x512xf32>,
      %swap3A_78 = arith.constant 0 : index
      %swap3A_79 = arith.constant 0 : index
      %swap3A_80 = vector.load %arg6[%swap3A_78, %swap3A_79] : memref<1x1xf32, #tpu.memory_space<vmem>>, vector<1x1xf32>
      tpu.vector_store %arg6[%swap3A_78, %swap3A_79], %reshape3A {strides = array<i32>} : memref<1x1xf32, #tpu.memory_space<vmem>>, vector<1x1xf32>,
    } else {
    }
    %gt3A = arith.constant 0 : i32
    %gt3A_64 = arith.cmpi sgt, %arg0, %gt3A : i32
    %convert_element_type3A_65 = arith.extui %gt3A_64 : i1 to i32
    %cond3A_66 = arith.constant 0 : i32
    %cond3A_67 = arith.cmpi ne, %convert_element_type3A_65, %cond3A_66 : i32
    scf.if %cond3A_67 {
      %get3A_73 = arith.constant 0 : index
      %get3A_74 = arith.constant 0 : index
      %get3A_75 = vector.load %arg5[%get3A_73, %get3A_74] : memref<1x512xf32, #tpu.memory_space<vmem>>, vector<1x512xf32>
      %get3A_76 = vector.shape_cast %get3A_75 : vector<1x512xf32> to vector<512xf32>
      %add3A_77 = arith.addf %get3A_76, %reduce_sum3A_59 : vector<512xf32>
      %swap3A_78 = arith.constant 0 : index
      %swap3A_79 = arith.constant 0 : index
      %swap3A_80 = vector.load %arg5[%swap3A_78, %swap3A_79] : memref<1x512xf32, #tpu.memory_space<vmem>>, vector<1x512xf32>
      %swap3A_81 = vector.shape_cast %swap3A_80 : vector<1x512xf32> to vector<512xf32>
      %swap3A_82 = vector.shape_cast %add3A_77 : vector<512xf32> to vector<1x512xf32>
      tpu.vector_store %arg5[%swap3A_78, %swap3A_79], %swap3A_82 {strides = array<i32>} : memref<1x512xf32, #tpu.memory_space<vmem>>, vector<1x512xf32>,
      %get3A_83 = arith.constant 0 : index
      %get3A_84 = arith.constant 0 : index
      %get3A_85 = vector.load %arg6[%get3A_83, %get3A_84] : memref<1x1xf32, #tpu.memory_space<vmem>>, vector<1x1xf32>
      %add3A_86 = arith.addf %get3A_85, %reshape3A : vector<1x1xf32>
      %swap3A_87 = arith.constant 0 : index
      %swap3A_88 = arith.constant 0 : index
      %swap3A_89 = vector.load %arg6[%swap3A_87, %swap3A_88] : memref<1x1xf32, #tpu.memory_space<vmem>>, vector<1x1xf32>
      tpu.vector_store %arg6[%swap3A_87, %swap3A_88], %add3A_86 {strides = array<i32>} : memref<1x1xf32, #tpu.memory_space<vmem>>, vector<1x1xf32>,
    } else {
    }
    %eq3A_68 = arith.constant 63 : i32
    %eq3A_69 = arith.cmpi eq, %arg0, %eq3A_68 : i32
    %convert_element_type3A_70 = arith.extui %eq3A_69 : i1 to i32
    %cond3A_71 = arith.constant 0 : i32
    %cond3A_72 = arith.cmpi ne, %convert_element_type3A_70, %cond3A_71 : i32
    scf.if %cond3A_72 {
      %get3A_73 = arith.constant 0 : index
      %get3A_74 = arith.constant 0 : index
      %get3A_75 = vector.load %arg5[%get3A_73, %get3A_74] : memref<1x512xf32, #tpu.memory_space<vmem>>, vector<1x512xf32>
      %get3A_76 = vector.shape_cast %get3A_75 : vector<1x512xf32> to vector<512xf32>
      %mul3A_77 = arith.constant 1.52587891E-5 : f32
      %mul3A_78 = vector.broadcast %mul3A_77 : f32 to vector<512xf32>
      %mul3A_79 = arith.mulf %get3A_76, %mul3A_78 : vector<512xf32>
      %add3A_80 = arith.constant 1.000000e-10 : f32
      %add3A_81 = vector.broadcast %add3A_80 : f32 to vector<512xf32>
      %add3A_82 = arith.addf %mul3A_79, %add3A_81 : vector<512xf32>
      %log3A = math.log %add3A_82 : vector<512xf32>
      %mul3A_83 = arith.mulf %mul3A_79, %log3A : vector<512xf32>
      %reduce_sum3A_84 = vector.shape_cast %mul3A_83 : vector<512xf32> to vector<1x512xf32>
      %reduce_sum3A_85 = arith.constant dense<0.000000e+00> : vector<1xf32>
      %reduce_sum3A_86 = vector.multi_reduction <add>, %reduce_sum3A_84, %reduce_sum3A_85 [1] : vector<1x512xf32> to vector<1xf32>
      %reduce_sum3A_87 = vector.shape_cast %reduce_sum3A_86 : vector<1xf32> to vector<1x1xf32>
      %reduce_sum3A_88 = vector.extract %reduce_sum3A_87[0, 0] : f32 from vector<1x1xf32>
      %neg3A = arith.constant 0.000000e+00 : f32
      %neg3A_89 = arith.subf %neg3A, %reduce_sum3A_88 : f32
      %exp3A = math.exp %neg3A_89 : f32
      %reshape3A_90 = vector.broadcast %exp3A : f32 to vector<1x1xf32>
      %swap3A_91 = arith.constant 0 : index
      %swap3A_92 = arith.constant 0 : index
      %swap3A_93 = vector.load %arg7[%swap3A_91, %swap3A_92] : memref<1x1xf32, #tpu.memory_space<vmem>>, vector<1x1xf32>
      tpu.vector_store %arg7[%swap3A_91, %swap3A_92], %reshape3A_90 {strides = array<i32>} : memref<1x1xf32, #tpu.memory_space<vmem>>, vector<1x1xf32>,
      %get3A_94 = arith.constant 0 : index
      %get3A_95 = arith.constant 0 : index
      %get3A_96 = vector.load %arg6[%get3A_94, %get3A_95] : memref<1x1xf32, #tpu.memory_space<vmem>>, vector<1x1xf32>
      %mul3A_97 = arith.constant 5.96046448E-8 : f32
      %mul3A_98 = vector.broadcast %mul3A_97 : f32 to vector<1x1xf32>
      %mul3A_99 = arith.mulf %get3A_96, %mul3A_98 : vector<1x1xf32>
      %swap3A_100 = arith.constant 0 : index
      %swap3A_101 = arith.constant 0 : index
      %swap3A_102 = vector.load %arg6[%swap3A_100, %swap3A_101] : memref<1x1xf32, #tpu.memory_space<vmem>>, vector<1x1xf32>
      tpu.vector_store %arg6[%swap3A_100, %swap3A_101], %mul3A_99 {strides = array<i32>} : memref<1x1xf32, #tpu.memory_space<vmem>>, vector<1x1xf32>,
    } else {
    }
    return
  }
  func.func @transform_0(%arg0: i32) -> (i32, i32, i32) {
    %c0_i32 = arith.constant 0 : i32
    %c0_i32_0 = arith.constant 0 : i32
    %c0_i32_1 = arith.constant 0 : i32
    return %arg0, %c0_i32, %c0_i32_0 : i32, i32, i32
  }
  func.func @transform_1(%arg0: i32) -> (i32, i32) {
    %c0_i32 = arith.constant 0 : i32
    %c0_i32_0 = arith.constant 0 : i32
    %c0_i32_1 = arith.constant 0 : i32
    return %c0_i32, %c0_i32_0 : i32, i32
  }
  func.func @transform_2(%arg0: i32) -> (i32, i32) {
    %c0_i32 = arith.constant 0 : i32
    %c0_i32_0 = arith.constant 0 : i32
    %c0_i32_1 = arith.constant 0 : i32
    return %c0_i32, %c0_i32_0 : i32, i32
  }
  func.func @transform_3(%arg0: i32) -> (i32, i32, i32) {
    %c0_i32 = arith.constant 0 : i32
    %c0_i32_0 = arith.constant 0 : i32
    %c0_i32_1 = arith.constant 0 : i32
    return %arg0, %c0_i32, %c0_i32_0 : i32, i32, i32
  }
  func.func @transform_4(%arg0: i32) -> (i32, i32) {
    %c0_i32 = arith.constant 0 : i32
    %c0_i32_0 = arith.constant 0 : i32
    %c0_i32_1 = arith.constant 0 : i32
    return %c0_i32, %c0_i32_0 : i32, i32
  }
  func.func @transform_5(%arg0: i32) -> (i32, i32) {
    %c0_i32 = arith.constant 0 : i32
    %c0_i32_0 = arith.constant 0 : i32
    %c0_i32_1 = arith.constant 0 : i32
    return %c0_i32, %c0_i32_0 : i32, i32
  }
  func.func @transform_6(%arg0: i32) -> (i32, i32) {
    %c0_i32 = arith.constant 0 : i32
    %c0_i32_0 = arith.constant 0 : i32
    %c0_i32_1 = arith.constant 0 : i32
    return %c0_i32, %c0_i32_0 : i32, i32
  }
}

module attributes {stable_mosaic.version = 14 : i64} {
  func.func @_conv_body(%arg0: i32, %arg1: i32, %arg2: memref<1x18x1164x64xbf16, #tpu.memory_space<vmem>>, %arg3: memref<1728x64xbf16, #tpu.memory_space<vmem>>, %arg4: memref<1x64xf32, #tpu.memory_space<vmem>>, %arg5: memref<1x1x1164x64xbf16, #tpu.memory_space<vmem>>) attributes {dimension_semantics = [#tpu.dimension_semantics<arbitrary>, #tpu.dimension_semantics<arbitrary>], iteration_bounds = array<i64: 4, 18>, scalar_prefetch = 0 : i64, scratch_operands = 0 : i64, tpu.core_type = #tpu.core_type<tc>, window_params = [{transform_indices = @transform_0, window_bounds = array<i64: 1, 18, 1164, 64>}, {pipeline_mode = #tpu.pipeline_mode<synchronous>, transform_indices = @transform_1, window_bounds = array<i64: 1728, 64>}, {pipeline_mode = #tpu.pipeline_mode<synchronous>, transform_indices = @transform_2, window_bounds = array<i64: 1, 64>}, {transform_indices = @transform_3, window_bounds = array<i64: 1, 1, 1164, 64>}]} {
    %sub3A = arith.constant 1 : i32
    %sub3A_0 = arith.subi %arg1, %sub3A : i32
    %ge3A = arith.constant 1 : i32
    %ge3A_1 = arith.cmpi sge, %arg1, %ge3A : i32
    %le3A = arith.constant 16 : i32
    %le3A_2 = arith.cmpi sle, %arg1, %le3A : i32
    %and3A = arith.andi %ge3A_1, %le3A_2 : i1
    %convert_element_type3A = arith.extui %and3A : i1 to i32
    %cond3A = arith.constant 0 : i32
    %cond3A_3 = arith.cmpi ne, %convert_element_type3A, %cond3A : i32
    scf.if %cond3A_3 {
      %add3A = arith.constant 0 : i32
      %add3A_8 = arith.addi %sub3A_0, %add3A : i32
      %add3A_9 = arith.constant 0 : i32
      %add3A_10 = arith.addi %add3A_8, %add3A_9 : i32
      %get3A = arith.constant 0 : index
      %get3A_11 = arith.index_cast %add3A_10 : i32 to index
      %get3A_12 = arith.constant 0 : index
      %get3A_13 = arith.constant 0 : index
      %get3A_14 = vector.load %arg2[%get3A, %get3A_11, %get3A_12, %get3A_13] : memref<1x18x1164x64xbf16, #tpu.memory_space<vmem>>, vector<1x1x1088x64xbf16>
      %get3A_15 = vector.shape_cast %get3A_14 : vector<1x1x1088x64xbf16> to vector<1088x64xbf16>
      %get3A_16 = arith.constant 0 : index
      %get3A_17 = arith.index_cast %add3A_10 : i32 to index
      %get3A_18 = arith.constant 1 : index
      %get3A_19 = arith.constant 0 : index
      %get3A_20 = vector.load %arg2[%get3A_16, %get3A_17, %get3A_18, %get3A_19] : memref<1x18x1164x64xbf16, #tpu.memory_space<vmem>>, vector<1x1x1088x64xbf16>
      %get3A_21 = vector.shape_cast %get3A_20 : vector<1x1x1088x64xbf16> to vector<1088x64xbf16>
      %get3A_22 = arith.constant 0 : index
      %get3A_23 = arith.index_cast %add3A_10 : i32 to index
      %get3A_24 = arith.constant 2 : index
      %get3A_25 = arith.constant 0 : index
      %get3A_26 = vector.load %arg2[%get3A_22, %get3A_23, %get3A_24, %get3A_25] : memref<1x18x1164x64xbf16, #tpu.memory_space<vmem>>, vector<1x1x1088x64xbf16>
      %get3A_27 = vector.shape_cast %get3A_26 : vector<1x1x1088x64xbf16> to vector<1088x64xbf16>
      %get3A_28 = arith.constant 0 : index
      %get3A_29 = arith.index_cast %add3A_10 : i32 to index
      %get3A_30 = arith.constant 34 : index
      %get3A_31 = arith.constant 0 : index
      %get3A_32 = vector.load %arg2[%get3A_28, %get3A_29, %get3A_30, %get3A_31] : memref<1x18x1164x64xbf16, #tpu.memory_space<vmem>>, vector<1x1x1088x64xbf16>
      %get3A_33 = vector.shape_cast %get3A_32 : vector<1x1x1088x64xbf16> to vector<1088x64xbf16>
      %get3A_34 = arith.constant 0 : index
      %get3A_35 = arith.index_cast %add3A_10 : i32 to index
      %get3A_36 = arith.constant 35 : index
      %get3A_37 = arith.constant 0 : index
      %get3A_38 = vector.load %arg2[%get3A_34, %get3A_35, %get3A_36, %get3A_37] : memref<1x18x1164x64xbf16, #tpu.memory_space<vmem>>, vector<1x1x1088x64xbf16>
      %get3A_39 = vector.shape_cast %get3A_38 : vector<1x1x1088x64xbf16> to vector<1088x64xbf16>
      %get3A_40 = arith.constant 0 : index
      %get3A_41 = arith.index_cast %add3A_10 : i32 to index
      %get3A_42 = arith.constant 36 : index
      %get3A_43 = arith.constant 0 : index
      %get3A_44 = vector.load %arg2[%get3A_40, %get3A_41, %get3A_42, %get3A_43] : memref<1x18x1164x64xbf16, #tpu.memory_space<vmem>>, vector<1x1x1088x64xbf16>
      %get3A_45 = vector.shape_cast %get3A_44 : vector<1x1x1088x64xbf16> to vector<1088x64xbf16>
      %get3A_46 = arith.constant 0 : index
      %get3A_47 = arith.index_cast %add3A_10 : i32 to index
      %get3A_48 = arith.constant 68 : index
      %get3A_49 = arith.constant 0 : index
      %get3A_50 = vector.load %arg2[%get3A_46, %get3A_47, %get3A_48, %get3A_49] : memref<1x18x1164x64xbf16, #tpu.memory_space<vmem>>, vector<1x1x1088x64xbf16>
      %get3A_51 = vector.shape_cast %get3A_50 : vector<1x1x1088x64xbf16> to vector<1088x64xbf16>
      %get3A_52 = arith.constant 0 : index
      %get3A_53 = arith.index_cast %add3A_10 : i32 to index
      %get3A_54 = arith.constant 69 : index
      %get3A_55 = arith.constant 0 : index
      %get3A_56 = vector.load %arg2[%get3A_52, %get3A_53, %get3A_54, %get3A_55] : memref<1x18x1164x64xbf16, #tpu.memory_space<vmem>>, vector<1x1x1088x64xbf16>
      %get3A_57 = vector.shape_cast %get3A_56 : vector<1x1x1088x64xbf16> to vector<1088x64xbf16>
      %get3A_58 = arith.constant 0 : index
      %get3A_59 = arith.index_cast %add3A_10 : i32 to index
      %get3A_60 = arith.constant 70 : index
      %get3A_61 = arith.constant 0 : index
      %get3A_62 = vector.load %arg2[%get3A_58, %get3A_59, %get3A_60, %get3A_61] : memref<1x18x1164x64xbf16, #tpu.memory_space<vmem>>, vector<1x1x1088x64xbf16>
      %get3A_63 = vector.shape_cast %get3A_62 : vector<1x1x1088x64xbf16> to vector<1088x64xbf16>
      %add3A_64 = arith.constant 1 : i32
      %add3A_65 = arith.addi %sub3A_0, %add3A_64 : i32
      %add3A_66 = arith.constant 0 : i32
      %add3A_67 = arith.addi %add3A_65, %add3A_66 : i32
      %get3A_68 = arith.constant 0 : index
      %get3A_69 = arith.index_cast %add3A_67 : i32 to index
      %get3A_70 = arith.constant 0 : index
      %get3A_71 = arith.constant 0 : index
      %get3A_72 = vector.load %arg2[%get3A_68, %get3A_69, %get3A_70, %get3A_71] : memref<1x18x1164x64xbf16, #tpu.memory_space<vmem>>, vector<1x1x1088x64xbf16>
      %get3A_73 = vector.shape_cast %get3A_72 : vector<1x1x1088x64xbf16> to vector<1088x64xbf16>
      %get3A_74 = arith.constant 0 : index
      %get3A_75 = arith.index_cast %add3A_67 : i32 to index
      %get3A_76 = arith.constant 1 : index
      %get3A_77 = arith.constant 0 : index
      %get3A_78 = vector.load %arg2[%get3A_74, %get3A_75, %get3A_76, %get3A_77] : memref<1x18x1164x64xbf16, #tpu.memory_space<vmem>>, vector<1x1x1088x64xbf16>
      %get3A_79 = vector.shape_cast %get3A_78 : vector<1x1x1088x64xbf16> to vector<1088x64xbf16>
      %get3A_80 = arith.constant 0 : index
      %get3A_81 = arith.index_cast %add3A_67 : i32 to index
      %get3A_82 = arith.constant 2 : index
      %get3A_83 = arith.constant 0 : index
      %get3A_84 = vector.load %arg2[%get3A_80, %get3A_81, %get3A_82, %get3A_83] : memref<1x18x1164x64xbf16, #tpu.memory_space<vmem>>, vector<1x1x1088x64xbf16>
      %get3A_85 = vector.shape_cast %get3A_84 : vector<1x1x1088x64xbf16> to vector<1088x64xbf16>
      %get3A_86 = arith.constant 0 : index
      %get3A_87 = arith.index_cast %add3A_67 : i32 to index
      %get3A_88 = arith.constant 34 : index
      %get3A_89 = arith.constant 0 : index
      %get3A_90 = vector.load %arg2[%get3A_86, %get3A_87, %get3A_88, %get3A_89] : memref<1x18x1164x64xbf16, #tpu.memory_space<vmem>>, vector<1x1x1088x64xbf16>
      %get3A_91 = vector.shape_cast %get3A_90 : vector<1x1x1088x64xbf16> to vector<1088x64xbf16>
      %get3A_92 = arith.constant 0 : index
      %get3A_93 = arith.index_cast %add3A_67 : i32 to index
      %get3A_94 = arith.constant 35 : index
      %get3A_95 = arith.constant 0 : index
      %get3A_96 = vector.load %arg2[%get3A_92, %get3A_93, %get3A_94, %get3A_95] : memref<1x18x1164x64xbf16, #tpu.memory_space<vmem>>, vector<1x1x1088x64xbf16>
      %get3A_97 = vector.shape_cast %get3A_96 : vector<1x1x1088x64xbf16> to vector<1088x64xbf16>
      %get3A_98 = arith.constant 0 : index
      %get3A_99 = arith.index_cast %add3A_67 : i32 to index
      %get3A_100 = arith.constant 36 : index
      %get3A_101 = arith.constant 0 : index
      %get3A_102 = vector.load %arg2[%get3A_98, %get3A_99, %get3A_100, %get3A_101] : memref<1x18x1164x64xbf16, #tpu.memory_space<vmem>>, vector<1x1x1088x64xbf16>
      %get3A_103 = vector.shape_cast %get3A_102 : vector<1x1x1088x64xbf16> to vector<1088x64xbf16>
      %get3A_104 = arith.constant 0 : index
      %get3A_105 = arith.index_cast %add3A_67 : i32 to index
      %get3A_106 = arith.constant 68 : index
      %get3A_107 = arith.constant 0 : index
      %get3A_108 = vector.load %arg2[%get3A_104, %get3A_105, %get3A_106, %get3A_107] : memref<1x18x1164x64xbf16, #tpu.memory_space<vmem>>, vector<1x1x1088x64xbf16>
      %get3A_109 = vector.shape_cast %get3A_108 : vector<1x1x1088x64xbf16> to vector<1088x64xbf16>
      %get3A_110 = arith.constant 0 : index
      %get3A_111 = arith.index_cast %add3A_67 : i32 to index
      %get3A_112 = arith.constant 69 : index
      %get3A_113 = arith.constant 0 : index
      %get3A_114 = vector.load %arg2[%get3A_110, %get3A_111, %get3A_112, %get3A_113] : memref<1x18x1164x64xbf16, #tpu.memory_space<vmem>>, vector<1x1x1088x64xbf16>
      %get3A_115 = vector.shape_cast %get3A_114 : vector<1x1x1088x64xbf16> to vector<1088x64xbf16>
      %get3A_116 = arith.constant 0 : index
      %get3A_117 = arith.index_cast %add3A_67 : i32 to index
      %get3A_118 = arith.constant 70 : index
      %get3A_119 = arith.constant 0 : index
      %get3A_120 = vector.load %arg2[%get3A_116, %get3A_117, %get3A_118, %get3A_119] : memref<1x18x1164x64xbf16, #tpu.memory_space<vmem>>, vector<1x1x1088x64xbf16>
      %get3A_121 = vector.shape_cast %get3A_120 : vector<1x1x1088x64xbf16> to vector<1088x64xbf16>
      %add3A_122 = arith.constant 2 : i32
      %add3A_123 = arith.addi %sub3A_0, %add3A_122 : i32
      %add3A_124 = arith.constant 0 : i32
      %add3A_125 = arith.addi %add3A_123, %add3A_124 : i32
      %get3A_126 = arith.constant 0 : index
      %get3A_127 = arith.index_cast %add3A_125 : i32 to index
      %get3A_128 = arith.constant 0 : index
      %get3A_129 = arith.constant 0 : index
      %get3A_130 = vector.load %arg2[%get3A_126, %get3A_127, %get3A_128, %get3A_129] : memref<1x18x1164x64xbf16, #tpu.memory_space<vmem>>, vector<1x1x1088x64xbf16>
      %get3A_131 = vector.shape_cast %get3A_130 : vector<1x1x1088x64xbf16> to vector<1088x64xbf16>
      %get3A_132 = arith.constant 0 : index
      %get3A_133 = arith.index_cast %add3A_125 : i32 to index
      %get3A_134 = arith.constant 1 : index
      %get3A_135 = arith.constant 0 : index
      %get3A_136 = vector.load %arg2[%get3A_132, %get3A_133, %get3A_134, %get3A_135] : memref<1x18x1164x64xbf16, #tpu.memory_space<vmem>>, vector<1x1x1088x64xbf16>
      %get3A_137 = vector.shape_cast %get3A_136 : vector<1x1x1088x64xbf16> to vector<1088x64xbf16>
      %get3A_138 = arith.constant 0 : index
      %get3A_139 = arith.index_cast %add3A_125 : i32 to index
      %get3A_140 = arith.constant 2 : index
      %get3A_141 = arith.constant 0 : index
      %get3A_142 = vector.load %arg2[%get3A_138, %get3A_139, %get3A_140, %get3A_141] : memref<1x18x1164x64xbf16, #tpu.memory_space<vmem>>, vector<1x1x1088x64xbf16>
      %get3A_143 = vector.shape_cast %get3A_142 : vector<1x1x1088x64xbf16> to vector<1088x64xbf16>
      %get3A_144 = arith.constant 0 : index
      %get3A_145 = arith.index_cast %add3A_125 : i32 to index
      %get3A_146 = arith.constant 34 : index
      %get3A_147 = arith.constant 0 : index
      %get3A_148 = vector.load %arg2[%get3A_144, %get3A_145, %get3A_146, %get3A_147] : memref<1x18x1164x64xbf16, #tpu.memory_space<vmem>>, vector<1x1x1088x64xbf16>
      %get3A_149 = vector.shape_cast %get3A_148 : vector<1x1x1088x64xbf16> to vector<1088x64xbf16>
      %get3A_150 = arith.constant 0 : index
      %get3A_151 = arith.index_cast %add3A_125 : i32 to index
      %get3A_152 = arith.constant 35 : index
      %get3A_153 = arith.constant 0 : index
      %get3A_154 = vector.load %arg2[%get3A_150, %get3A_151, %get3A_152, %get3A_153] : memref<1x18x1164x64xbf16, #tpu.memory_space<vmem>>, vector<1x1x1088x64xbf16>
      %get3A_155 = vector.shape_cast %get3A_154 : vector<1x1x1088x64xbf16> to vector<1088x64xbf16>
      %get3A_156 = arith.constant 0 : index
      %get3A_157 = arith.index_cast %add3A_125 : i32 to index
      %get3A_158 = arith.constant 36 : index
      %get3A_159 = arith.constant 0 : index
      %get3A_160 = vector.load %arg2[%get3A_156, %get3A_157, %get3A_158, %get3A_159] : memref<1x18x1164x64xbf16, #tpu.memory_space<vmem>>, vector<1x1x1088x64xbf16>
      %get3A_161 = vector.shape_cast %get3A_160 : vector<1x1x1088x64xbf16> to vector<1088x64xbf16>
      %get3A_162 = arith.constant 0 : index
      %get3A_163 = arith.index_cast %add3A_125 : i32 to index
      %get3A_164 = arith.constant 68 : index
      %get3A_165 = arith.constant 0 : index
      %get3A_166 = vector.load %arg2[%get3A_162, %get3A_163, %get3A_164, %get3A_165] : memref<1x18x1164x64xbf16, #tpu.memory_space<vmem>>, vector<1x1x1088x64xbf16>
      %get3A_167 = vector.shape_cast %get3A_166 : vector<1x1x1088x64xbf16> to vector<1088x64xbf16>
      %get3A_168 = arith.constant 0 : index
      %get3A_169 = arith.index_cast %add3A_125 : i32 to index
      %get3A_170 = arith.constant 69 : index
      %get3A_171 = arith.constant 0 : index
      %get3A_172 = vector.load %arg2[%get3A_168, %get3A_169, %get3A_170, %get3A_171] : memref<1x18x1164x64xbf16, #tpu.memory_space<vmem>>, vector<1x1x1088x64xbf16>
      %get3A_173 = vector.shape_cast %get3A_172 : vector<1x1x1088x64xbf16> to vector<1088x64xbf16>
      %get3A_174 = arith.constant 0 : index
      %get3A_175 = arith.index_cast %add3A_125 : i32 to index
      %get3A_176 = arith.constant 70 : index
      %get3A_177 = arith.constant 0 : index
      %get3A_178 = vector.load %arg2[%get3A_174, %get3A_175, %get3A_176, %get3A_177] : memref<1x18x1164x64xbf16, #tpu.memory_space<vmem>>, vector<1x1x1088x64xbf16>
      %get3A_179 = vector.shape_cast %get3A_178 : vector<1x1x1088x64xbf16> to vector<1088x64xbf16>
      %concatenate3A = tpu.concatenate %get3A_15, %get3A_21, %get3A_27, %get3A_33, %get3A_39, %get3A_45, %get3A_51, %get3A_57, %get3A_63, %get3A_73, %get3A_79, %get3A_85, %get3A_91, %get3A_97, %get3A_103, %get3A_109, %get3A_115, %get3A_121, %get3A_131, %get3A_137, %get3A_143, %get3A_149, %get3A_155, %get3A_161, %get3A_167, %get3A_173, %get3A_179 in 1 : vector<1088x64xbf16>, vector<1088x64xbf16>, vector<1088x64xbf16>, vector<1088x64xbf16>, vector<1088x64xbf16>, vector<1088x64xbf16>, vector<1088x64xbf16>, vector<1088x64xbf16>, vector<1088x64xbf16>, vector<1088x64xbf16>, vector<1088x64xbf16>, vector<1088x64xbf16>, vector<1088x64xbf16>, vector<1088x64xbf16>, vector<1088x64xbf16>, vector<1088x64xbf16>, vector<1088x64xbf16>, vector<1088x64xbf16>, vector<1088x64xbf16>, vector<1088x64xbf16>, vector<1088x64xbf16>, vector<1088x64xbf16>, vector<1088x64xbf16>, vector<1088x64xbf16>, vector<1088x64xbf16>, vector<1088x64xbf16>, vector<1088x64xbf16> -> vector<1088x1728xbf16>
      %get3A_180 = arith.constant 0 : index
      %get3A_181 = arith.constant 0 : index
      %get3A_182 = vector.load %arg3[%get3A_180, %get3A_181] : memref<1728x64xbf16, #tpu.memory_space<vmem>>, vector<1728x64xbf16>
      %dot_general3A = arith.constant dense<0.000000e+00> : vector<1088x64xf32>
      %dot_general3A_183 = tpu.matmul %concatenate3A, %get3A_182, %dot_general3A {dimension_numbers = #tpu.dot_dimension_numbers<[1], [0], [0], [1], [0, 0, 1, 1], [], []>, transpose_lhs_hint = false} : vector<1088x1728xbf16>, vector<1728x64xbf16>, vector<1088x64xf32> -> vector<1088x64xf32>
      %get3A_184 = arith.constant 0 : index
      %get3A_185 = arith.constant 0 : index
      %get3A_186 = vector.load %arg4[%get3A_184, %get3A_185] : memref<1x64xf32, #tpu.memory_space<vmem>>, vector<1x64xf32>
      %add3A_187 = vector.broadcast %get3A_186 : vector<1x64xf32> to vector<1088x64xf32>
      %add3A_188 = arith.addf %dot_general3A_183, %add3A_187 : vector<1088x64xf32>
      %max3A = arith.constant 0.000000e+00 : f32
      %max3A_189 = vector.broadcast %max3A : f32 to vector<1088x64xf32>
      %max3A_190 = arith.maximumf %add3A_188, %max3A_189 : vector<1088x64xf32>
      %iota3A = tpu.iota {dimensions = array<i32: 0>} : vector<1088x1xi32>
      %jit3A = arith.constant 34 : i32
      %eq3A = arith.constant 0 : i32
      %eq3A_191 = arith.cmpi eq, %jit3A, %eq3A : i32
      %jit3A_192 = arith.constant 1 : i32
      %select_n3A = arith.select %eq3A_191, %jit3A_192, %jit3A : i32
      %rem3A = vector.broadcast %select_n3A : i32 to vector<1088x1xi32>
      %rem3A_193 = arith.remsi %iota3A, %rem3A : vector<1088x1xi32>
      %ne3A = arith.constant 0 : i32
      %ne3A_194 = vector.broadcast %ne3A : i32 to vector<1088x1xi32>
      %ne3A_195 = arith.cmpi ne, %rem3A_193, %ne3A_194 : vector<1088x1xi32>
      %lt3A = arith.constant 0 : i32
      %lt3A_196 = vector.broadcast %lt3A : i32 to vector<1088x1xi32>
      %lt3A_197 = arith.cmpi slt, %rem3A_193, %lt3A_196 : vector<1088x1xi32>
      %lt3A_198 = arith.constant 0 : i32
      %lt3A_199 = arith.cmpi slt, %select_n3A, %lt3A_198 : i32
      %ne3A_200 = vector.broadcast %lt3A_199 : i1 to vector<1088x1xi1>
      %ne3A_201 = vector.broadcast %ne3A_200 : vector<1088x1xi1> to vector<1088x1xi1>
      %ne3A_202 = arith.xori %lt3A_197, %ne3A_201 : vector<1088x1xi1>
      %and3A_203 = arith.andi %ne3A_202, %ne3A_195 : vector<1088x1xi1>
      %add3A_204 = vector.broadcast %select_n3A : i32 to vector<1088x1xi32>
      %add3A_205 = arith.addi %rem3A_193, %add3A_204 : vector<1088x1xi32>
      %select_n3A_206 = arith.select %and3A_203, %add3A_205, %rem3A_193 : vector<1088x1xi1>, vector<1088x1xi32>
      %lt3A_207 = arith.constant 32 : i32
      %lt3A_208 = vector.broadcast %lt3A_207 : i32 to vector<1088x1xi32>
      %lt3A_209 = arith.cmpi slt, %select_n3A_206, %lt3A_208 : vector<1088x1xi32>
      %jit3A_210 = arith.constant 0.000000e+00 : f32
      %broadcast_in_dim3A = vector.shape_cast %lt3A_209 : vector<1088x1xi1> to vector<1088x1xi1>
      %broadcast_in_dim3A_211 = vector.broadcast %broadcast_in_dim3A : vector<1088x1xi1> to vector<1088x64xi1>
      %broadcast_in_dim3A_212 = vector.broadcast %jit3A_210 : f32 to vector<1088x64xf32>
      %select_n3A_213 = arith.select %broadcast_in_dim3A_211, %max3A_190, %broadcast_in_dim3A_212 : vector<1088x64xi1>, vector<1088x64xf32>
      %convert_element_type3A_214 = arith.truncf %select_n3A_213 : vector<1088x64xf32> to vector<1088x64xbf16>
      %broadcast_in_dim3A_215 = arith.constant 0.000000e+00 : bf16
      %broadcast_in_dim3A_216 = vector.broadcast %broadcast_in_dim3A_215 : bf16 to vector<35x64xbf16>
      %swap3A = arith.constant 0 : index
      %swap3A_217 = arith.constant 0 : index
      %swap3A_218 = arith.constant 0 : index
      %swap3A_219 = arith.constant 0 : index
      %swap3A_220 = vector.load %arg5[%swap3A, %swap3A_217, %swap3A_218, %swap3A_219] : memref<1x1x1164x64xbf16, #tpu.memory_space<vmem>>, vector<1x1x35x64xbf16>
      %swap3A_221 = vector.shape_cast %swap3A_220 : vector<1x1x35x64xbf16> to vector<35x64xbf16>
      %swap3A_222 = vector.shape_cast %broadcast_in_dim3A_216 : vector<35x64xbf16> to vector<1x1x35x64xbf16>
      tpu.vector_store %arg5[%swap3A, %swap3A_217, %swap3A_218, %swap3A_219], %swap3A_222 {strides = array<i32>} : memref<1x1x1164x64xbf16, #tpu.memory_space<vmem>>, vector<1x1x35x64xbf16>,
      %swap3A_223 = arith.constant 0 : index
      %swap3A_224 = arith.constant 0 : index
      %swap3A_225 = arith.constant 35 : index
      %swap3A_226 = arith.constant 0 : index
      %swap3A_227 = vector.load %arg5[%swap3A_223, %swap3A_224, %swap3A_225, %swap3A_226] : memref<1x1x1164x64xbf16, #tpu.memory_space<vmem>>, vector<1x1x1088x64xbf16>
      %swap3A_228 = vector.shape_cast %swap3A_227 : vector<1x1x1088x64xbf16> to vector<1088x64xbf16>
      %swap3A_229 = vector.shape_cast %convert_element_type3A_214 : vector<1088x64xbf16> to vector<1x1x1088x64xbf16>
      tpu.vector_store %arg5[%swap3A_223, %swap3A_224, %swap3A_225, %swap3A_226], %swap3A_229 {strides = array<i32>} : memref<1x1x1164x64xbf16, #tpu.memory_space<vmem>>, vector<1x1x1088x64xbf16>,
      %broadcast_in_dim3A_230 = arith.constant 0.000000e+00 : bf16
      %broadcast_in_dim3A_231 = vector.broadcast %broadcast_in_dim3A_230 : bf16 to vector<41x64xbf16>
      %swap3A_232 = arith.constant 0 : index
      %swap3A_233 = arith.constant 0 : index
      %swap3A_234 = arith.constant 1123 : index
      %swap3A_235 = arith.constant 0 : index
      %swap3A_236 = vector.load %arg5[%swap3A_232, %swap3A_233, %swap3A_234, %swap3A_235] : memref<1x1x1164x64xbf16, #tpu.memory_space<vmem>>, vector<1x1x41x64xbf16>
      %swap3A_237 = vector.shape_cast %swap3A_236 : vector<1x1x41x64xbf16> to vector<41x64xbf16>
      %swap3A_238 = vector.shape_cast %broadcast_in_dim3A_231 : vector<41x64xbf16> to vector<1x1x41x64xbf16>
      tpu.vector_store %arg5[%swap3A_232, %swap3A_233, %swap3A_234, %swap3A_235], %swap3A_238 {strides = array<i32>} : memref<1x1x1164x64xbf16, #tpu.memory_space<vmem>>, vector<1x1x41x64xbf16>,
    } else {
    }
    %not3A = arith.constant true
    %not3A_4 = arith.xori %and3A, %not3A : i1
    %convert_element_type3A_5 = arith.extui %not3A_4 : i1 to i32
    %cond3A_6 = arith.constant 0 : i32
    %cond3A_7 = arith.cmpi ne, %convert_element_type3A_5, %cond3A_6 : i32
    scf.if %cond3A_7 {
      %broadcast_in_dim3A = arith.constant 0.000000e+00 : bf16
      %broadcast_in_dim3A_8 = vector.broadcast %broadcast_in_dim3A : bf16 to vector<1164x64xbf16>
      %swap3A = arith.constant 0 : index
      %swap3A_9 = arith.constant 0 : index
      %swap3A_10 = arith.constant 0 : index
      %swap3A_11 = arith.constant 0 : index
      %swap3A_12 = vector.load %arg5[%swap3A, %swap3A_9, %swap3A_10, %swap3A_11] : memref<1x1x1164x64xbf16, #tpu.memory_space<vmem>>, vector<1x1x1164x64xbf16>
      %swap3A_13 = vector.shape_cast %swap3A_12 : vector<1x1x1164x64xbf16> to vector<1164x64xbf16>
      %swap3A_14 = vector.shape_cast %broadcast_in_dim3A_8 : vector<1164x64xbf16> to vector<1x1x1164x64xbf16>
      tpu.vector_store %arg5[%swap3A, %swap3A_9, %swap3A_10, %swap3A_11], %swap3A_14 {strides = array<i32>} : memref<1x1x1164x64xbf16, #tpu.memory_space<vmem>>, vector<1x1x1164x64xbf16>,
    } else {
    }
    return
  }
  func.func @transform_0(%arg0: i32, %arg1: i32) -> (i32, i32, i32, i32) {
    %c0_i32 = arith.constant 0 : i32
    %c0_i32_0 = arith.constant 0 : i32
    %c0_i32_1 = arith.constant 0 : i32
    %c0_i32_2 = arith.constant 0 : i32
    return %arg0, %c0_i32, %c0_i32_0, %c0_i32_1 : i32, i32, i32, i32
  }
  func.func @transform_1(%arg0: i32, %arg1: i32) -> (i32, i32) {
    %c0_i32 = arith.constant 0 : i32
    %c0_i32_0 = arith.constant 0 : i32
    %c0_i32_1 = arith.constant 0 : i32
    return %c0_i32, %c0_i32_0 : i32, i32
  }
  func.func @transform_2(%arg0: i32, %arg1: i32) -> (i32, i32) {
    %c0_i32 = arith.constant 0 : i32
    %c0_i32_0 = arith.constant 0 : i32
    %c0_i32_1 = arith.constant 0 : i32
    return %c0_i32, %c0_i32_0 : i32, i32
  }
  func.func @transform_3(%arg0: i32, %arg1: i32) -> (i32, i32, i32, i32) {
    %c0_i32 = arith.constant 0 : i32
    %c0_i32_0 = arith.constant 0 : i32
    %c0_i32_1 = arith.constant 0 : i32
    return %arg0, %arg1, %c0_i32, %c0_i32_0 : i32, i32, i32, i32
  }
}

module attributes {stable_mosaic.version = 14 : i64} {
  func.func @_conv_body(%arg0: i32, %arg1: i32, %arg2: i32, %arg3: memref<1x18x1164x64xbf16, #tpu.memory_space<vmem>>, %arg4: memref<1x1152x128xbf16, #tpu.memory_space<vmem>>, %arg5: memref<1x128xf32, #tpu.memory_space<vmem>>, %arg6: memref<1x1x1164x128xbf16, #tpu.memory_space<vmem>>) attributes {dimension_semantics = [#tpu.dimension_semantics<arbitrary>, #tpu.dimension_semantics<arbitrary>, #tpu.dimension_semantics<arbitrary>], iteration_bounds = array<i64: 4, 2, 18>, scalar_prefetch = 0 : i64, scratch_operands = 0 : i64, tpu.core_type = #tpu.core_type<tc>, window_params = [{transform_indices = @transform_0, window_bounds = array<i64: 1, 18, 1164, 64>}, {transform_indices = @transform_1, window_bounds = array<i64: 1, 1152, 128>}, {pipeline_mode = #tpu.pipeline_mode<synchronous>, transform_indices = @transform_2, window_bounds = array<i64: 1, 128>}, {transform_indices = @transform_3, window_bounds = array<i64: 1, 1, 1164, 128>}]} {
    %sub3A = arith.constant 1 : i32
    %sub3A_0 = arith.subi %arg2, %sub3A : i32
    %ge3A = arith.constant 1 : i32
    %ge3A_1 = arith.cmpi sge, %arg2, %ge3A : i32
    %le3A = arith.constant 16 : i32
    %le3A_2 = arith.cmpi sle, %arg2, %le3A : i32
    %and3A = arith.andi %ge3A_1, %le3A_2 : i1
    %convert_element_type3A = arith.extui %and3A : i1 to i32
    %cond3A = arith.constant 0 : i32
    %cond3A_3 = arith.cmpi ne, %convert_element_type3A, %cond3A : i32
    scf.if %cond3A_3 {
      %add3A = arith.constant 0 : i32
      %add3A_8 = arith.addi %sub3A_0, %add3A : i32
      %add3A_9 = arith.addi %add3A_8, %arg1 : i32
      %get3A = arith.constant 0 : index
      %get3A_10 = arith.index_cast %add3A_9 : i32 to index
      %get3A_11 = arith.constant 0 : index
      %get3A_12 = arith.constant 0 : index
      %get3A_13 = vector.load %arg3[%get3A, %get3A_10, %get3A_11, %get3A_12] : memref<1x18x1164x64xbf16, #tpu.memory_space<vmem>>, vector<1x1x1088x64xbf16>
      %get3A_14 = vector.shape_cast %get3A_13 : vector<1x1x1088x64xbf16> to vector<1088x64xbf16>
      %get3A_15 = arith.constant 0 : index
      %get3A_16 = arith.index_cast %add3A_9 : i32 to index
      %get3A_17 = arith.constant 1 : index
      %get3A_18 = arith.constant 0 : index
      %get3A_19 = vector.load %arg3[%get3A_15, %get3A_16, %get3A_17, %get3A_18] : memref<1x18x1164x64xbf16, #tpu.memory_space<vmem>>, vector<1x1x1088x64xbf16>
      %get3A_20 = vector.shape_cast %get3A_19 : vector<1x1x1088x64xbf16> to vector<1088x64xbf16>
      %get3A_21 = arith.constant 0 : index
      %get3A_22 = arith.index_cast %add3A_9 : i32 to index
      %get3A_23 = arith.constant 2 : index
      %get3A_24 = arith.constant 0 : index
      %get3A_25 = vector.load %arg3[%get3A_21, %get3A_22, %get3A_23, %get3A_24] : memref<1x18x1164x64xbf16, #tpu.memory_space<vmem>>, vector<1x1x1088x64xbf16>
      %get3A_26 = vector.shape_cast %get3A_25 : vector<1x1x1088x64xbf16> to vector<1088x64xbf16>
      %get3A_27 = arith.constant 0 : index
      %get3A_28 = arith.index_cast %add3A_9 : i32 to index
      %get3A_29 = arith.constant 34 : index
      %get3A_30 = arith.constant 0 : index
      %get3A_31 = vector.load %arg3[%get3A_27, %get3A_28, %get3A_29, %get3A_30] : memref<1x18x1164x64xbf16, #tpu.memory_space<vmem>>, vector<1x1x1088x64xbf16>
      %get3A_32 = vector.shape_cast %get3A_31 : vector<1x1x1088x64xbf16> to vector<1088x64xbf16>
      %get3A_33 = arith.constant 0 : index
      %get3A_34 = arith.index_cast %add3A_9 : i32 to index
      %get3A_35 = arith.constant 35 : index
      %get3A_36 = arith.constant 0 : index
      %get3A_37 = vector.load %arg3[%get3A_33, %get3A_34, %get3A_35, %get3A_36] : memref<1x18x1164x64xbf16, #tpu.memory_space<vmem>>, vector<1x1x1088x64xbf16>
      %get3A_38 = vector.shape_cast %get3A_37 : vector<1x1x1088x64xbf16> to vector<1088x64xbf16>
      %get3A_39 = arith.constant 0 : index
      %get3A_40 = arith.index_cast %add3A_9 : i32 to index
      %get3A_41 = arith.constant 36 : index
      %get3A_42 = arith.constant 0 : index
      %get3A_43 = vector.load %arg3[%get3A_39, %get3A_40, %get3A_41, %get3A_42] : memref<1x18x1164x64xbf16, #tpu.memory_space<vmem>>, vector<1x1x1088x64xbf16>
      %get3A_44 = vector.shape_cast %get3A_43 : vector<1x1x1088x64xbf16> to vector<1088x64xbf16>
      %get3A_45 = arith.constant 0 : index
      %get3A_46 = arith.index_cast %add3A_9 : i32 to index
      %get3A_47 = arith.constant 68 : index
      %get3A_48 = arith.constant 0 : index
      %get3A_49 = vector.load %arg3[%get3A_45, %get3A_46, %get3A_47, %get3A_48] : memref<1x18x1164x64xbf16, #tpu.memory_space<vmem>>, vector<1x1x1088x64xbf16>
      %get3A_50 = vector.shape_cast %get3A_49 : vector<1x1x1088x64xbf16> to vector<1088x64xbf16>
      %get3A_51 = arith.constant 0 : index
      %get3A_52 = arith.index_cast %add3A_9 : i32 to index
      %get3A_53 = arith.constant 69 : index
      %get3A_54 = arith.constant 0 : index
      %get3A_55 = vector.load %arg3[%get3A_51, %get3A_52, %get3A_53, %get3A_54] : memref<1x18x1164x64xbf16, #tpu.memory_space<vmem>>, vector<1x1x1088x64xbf16>
      %get3A_56 = vector.shape_cast %get3A_55 : vector<1x1x1088x64xbf16> to vector<1088x64xbf16>
      %get3A_57 = arith.constant 0 : index
      %get3A_58 = arith.index_cast %add3A_9 : i32 to index
      %get3A_59 = arith.constant 70 : index
      %get3A_60 = arith.constant 0 : index
      %get3A_61 = vector.load %arg3[%get3A_57, %get3A_58, %get3A_59, %get3A_60] : memref<1x18x1164x64xbf16, #tpu.memory_space<vmem>>, vector<1x1x1088x64xbf16>
      %get3A_62 = vector.shape_cast %get3A_61 : vector<1x1x1088x64xbf16> to vector<1088x64xbf16>
      %add3A_63 = arith.constant 1 : i32
      %add3A_64 = arith.addi %sub3A_0, %add3A_63 : i32
      %add3A_65 = arith.addi %add3A_64, %arg1 : i32
      %get3A_66 = arith.constant 0 : index
      %get3A_67 = arith.index_cast %add3A_65 : i32 to index
      %get3A_68 = arith.constant 0 : index
      %get3A_69 = arith.constant 0 : index
      %get3A_70 = vector.load %arg3[%get3A_66, %get3A_67, %get3A_68, %get3A_69] : memref<1x18x1164x64xbf16, #tpu.memory_space<vmem>>, vector<1x1x1088x64xbf16>
      %get3A_71 = vector.shape_cast %get3A_70 : vector<1x1x1088x64xbf16> to vector<1088x64xbf16>
      %get3A_72 = arith.constant 0 : index
      %get3A_73 = arith.index_cast %add3A_65 : i32 to index
      %get3A_74 = arith.constant 1 : index
      %get3A_75 = arith.constant 0 : index
      %get3A_76 = vector.load %arg3[%get3A_72, %get3A_73, %get3A_74, %get3A_75] : memref<1x18x1164x64xbf16, #tpu.memory_space<vmem>>, vector<1x1x1088x64xbf16>
      %get3A_77 = vector.shape_cast %get3A_76 : vector<1x1x1088x64xbf16> to vector<1088x64xbf16>
      %get3A_78 = arith.constant 0 : index
      %get3A_79 = arith.index_cast %add3A_65 : i32 to index
      %get3A_80 = arith.constant 2 : index
      %get3A_81 = arith.constant 0 : index
      %get3A_82 = vector.load %arg3[%get3A_78, %get3A_79, %get3A_80, %get3A_81] : memref<1x18x1164x64xbf16, #tpu.memory_space<vmem>>, vector<1x1x1088x64xbf16>
      %get3A_83 = vector.shape_cast %get3A_82 : vector<1x1x1088x64xbf16> to vector<1088x64xbf16>
      %get3A_84 = arith.constant 0 : index
      %get3A_85 = arith.index_cast %add3A_65 : i32 to index
      %get3A_86 = arith.constant 34 : index
      %get3A_87 = arith.constant 0 : index
      %get3A_88 = vector.load %arg3[%get3A_84, %get3A_85, %get3A_86, %get3A_87] : memref<1x18x1164x64xbf16, #tpu.memory_space<vmem>>, vector<1x1x1088x64xbf16>
      %get3A_89 = vector.shape_cast %get3A_88 : vector<1x1x1088x64xbf16> to vector<1088x64xbf16>
      %get3A_90 = arith.constant 0 : index
      %get3A_91 = arith.index_cast %add3A_65 : i32 to index
      %get3A_92 = arith.constant 35 : index
      %get3A_93 = arith.constant 0 : index
      %get3A_94 = vector.load %arg3[%get3A_90, %get3A_91, %get3A_92, %get3A_93] : memref<1x18x1164x64xbf16, #tpu.memory_space<vmem>>, vector<1x1x1088x64xbf16>
      %get3A_95 = vector.shape_cast %get3A_94 : vector<1x1x1088x64xbf16> to vector<1088x64xbf16>
      %get3A_96 = arith.constant 0 : index
      %get3A_97 = arith.index_cast %add3A_65 : i32 to index
      %get3A_98 = arith.constant 36 : index
      %get3A_99 = arith.constant 0 : index
      %get3A_100 = vector.load %arg3[%get3A_96, %get3A_97, %get3A_98, %get3A_99] : memref<1x18x1164x64xbf16, #tpu.memory_space<vmem>>, vector<1x1x1088x64xbf16>
      %get3A_101 = vector.shape_cast %get3A_100 : vector<1x1x1088x64xbf16> to vector<1088x64xbf16>
      %get3A_102 = arith.constant 0 : index
      %get3A_103 = arith.index_cast %add3A_65 : i32 to index
      %get3A_104 = arith.constant 68 : index
      %get3A_105 = arith.constant 0 : index
      %get3A_106 = vector.load %arg3[%get3A_102, %get3A_103, %get3A_104, %get3A_105] : memref<1x18x1164x64xbf16, #tpu.memory_space<vmem>>, vector<1x1x1088x64xbf16>
      %get3A_107 = vector.shape_cast %get3A_106 : vector<1x1x1088x64xbf16> to vector<1088x64xbf16>
      %get3A_108 = arith.constant 0 : index
      %get3A_109 = arith.index_cast %add3A_65 : i32 to index
      %get3A_110 = arith.constant 69 : index
      %get3A_111 = arith.constant 0 : index
      %get3A_112 = vector.load %arg3[%get3A_108, %get3A_109, %get3A_110, %get3A_111] : memref<1x18x1164x64xbf16, #tpu.memory_space<vmem>>, vector<1x1x1088x64xbf16>
      %get3A_113 = vector.shape_cast %get3A_112 : vector<1x1x1088x64xbf16> to vector<1088x64xbf16>
      %get3A_114 = arith.constant 0 : index
      %get3A_115 = arith.index_cast %add3A_65 : i32 to index
      %get3A_116 = arith.constant 70 : index
      %get3A_117 = arith.constant 0 : index
      %get3A_118 = vector.load %arg3[%get3A_114, %get3A_115, %get3A_116, %get3A_117] : memref<1x18x1164x64xbf16, #tpu.memory_space<vmem>>, vector<1x1x1088x64xbf16>
      %get3A_119 = vector.shape_cast %get3A_118 : vector<1x1x1088x64xbf16> to vector<1088x64xbf16>
      %concatenate3A = tpu.concatenate %get3A_14, %get3A_20, %get3A_26, %get3A_32, %get3A_38, %get3A_44, %get3A_50, %get3A_56, %get3A_62, %get3A_71, %get3A_77, %get3A_83, %get3A_89, %get3A_95, %get3A_101, %get3A_107, %get3A_113, %get3A_119 in 1 : vector<1088x64xbf16>, vector<1088x64xbf16>, vector<1088x64xbf16>, vector<1088x64xbf16>, vector<1088x64xbf16>, vector<1088x64xbf16>, vector<1088x64xbf16>, vector<1088x64xbf16>, vector<1088x64xbf16>, vector<1088x64xbf16>, vector<1088x64xbf16>, vector<1088x64xbf16>, vector<1088x64xbf16>, vector<1088x64xbf16>, vector<1088x64xbf16>, vector<1088x64xbf16>, vector<1088x64xbf16>, vector<1088x64xbf16> -> vector<1088x1152xbf16>
      %get3A_120 = arith.constant 0 : index
      %get3A_121 = arith.constant 0 : index
      %get3A_122 = arith.constant 0 : index
      %get3A_123 = vector.load %arg4[%get3A_120, %get3A_121, %get3A_122] : memref<1x1152x128xbf16, #tpu.memory_space<vmem>>, vector<1x1152x128xbf16>
      %get3A_124 = vector.shape_cast %get3A_123 : vector<1x1152x128xbf16> to vector<1152x128xbf16>
      %dot_general3A = arith.constant dense<0.000000e+00> : vector<1088x128xf32>
      %dot_general3A_125 = tpu.matmul %concatenate3A, %get3A_124, %dot_general3A {dimension_numbers = #tpu.dot_dimension_numbers<[1], [0], [0], [1], [0, 0, 1, 1], [], []>, transpose_lhs_hint = false} : vector<1088x1152xbf16>, vector<1152x128xbf16>, vector<1088x128xf32> -> vector<1088x128xf32>
      %get3A_126 = arith.constant 0 : index
      %get3A_127 = arith.constant 0 : index
      %get3A_128 = vector.load %arg5[%get3A_126, %get3A_127] : memref<1x128xf32, #tpu.memory_space<vmem>>, vector<1x128xf32>
      %add3A_129 = vector.broadcast %get3A_128 : vector<1x128xf32> to vector<1088x128xf32>
      %add3A_130 = arith.addf %dot_general3A_125, %add3A_129 : vector<1088x128xf32>
      %max3A = arith.constant 0.000000e+00 : f32
      %max3A_131 = vector.broadcast %max3A : f32 to vector<1088x128xf32>
      %max3A_132 = arith.maximumf %add3A_130, %max3A_131 : vector<1088x128xf32>
      %iota3A = tpu.iota {dimensions = array<i32: 0>} : vector<1088x1xi32>
      %jit3A = arith.constant 34 : i32
      %eq3A = arith.constant 0 : i32
      %eq3A_133 = arith.cmpi eq, %jit3A, %eq3A : i32
      %jit3A_134 = arith.constant 1 : i32
      %select_n3A = arith.select %eq3A_133, %jit3A_134, %jit3A : i32
      %rem3A = vector.broadcast %select_n3A : i32 to vector<1088x1xi32>
      %rem3A_135 = arith.remsi %iota3A, %rem3A : vector<1088x1xi32>
      %ne3A = arith.constant 0 : i32
      %ne3A_136 = vector.broadcast %ne3A : i32 to vector<1088x1xi32>
      %ne3A_137 = arith.cmpi ne, %rem3A_135, %ne3A_136 : vector<1088x1xi32>
      %lt3A = arith.constant 0 : i32
      %lt3A_138 = vector.broadcast %lt3A : i32 to vector<1088x1xi32>
      %lt3A_139 = arith.cmpi slt, %rem3A_135, %lt3A_138 : vector<1088x1xi32>
      %lt3A_140 = arith.constant 0 : i32
      %lt3A_141 = arith.cmpi slt, %select_n3A, %lt3A_140 : i32
      %ne3A_142 = vector.broadcast %lt3A_141 : i1 to vector<1088x1xi1>
      %ne3A_143 = vector.broadcast %ne3A_142 : vector<1088x1xi1> to vector<1088x1xi1>
      %ne3A_144 = arith.xori %lt3A_139, %ne3A_143 : vector<1088x1xi1>
      %and3A_145 = arith.andi %ne3A_144, %ne3A_137 : vector<1088x1xi1>
      %add3A_146 = vector.broadcast %select_n3A : i32 to vector<1088x1xi32>
      %add3A_147 = arith.addi %rem3A_135, %add3A_146 : vector<1088x1xi32>
      %select_n3A_148 = arith.select %and3A_145, %add3A_147, %rem3A_135 : vector<1088x1xi1>, vector<1088x1xi32>
      %lt3A_149 = arith.constant 32 : i32
      %lt3A_150 = vector.broadcast %lt3A_149 : i32 to vector<1088x1xi32>
      %lt3A_151 = arith.cmpi slt, %select_n3A_148, %lt3A_150 : vector<1088x1xi32>
      %jit3A_152 = arith.constant 0.000000e+00 : f32
      %broadcast_in_dim3A = vector.shape_cast %lt3A_151 : vector<1088x1xi1> to vector<1088x1xi1>
      %broadcast_in_dim3A_153 = vector.broadcast %broadcast_in_dim3A : vector<1088x1xi1> to vector<1088x128xi1>
      %broadcast_in_dim3A_154 = vector.broadcast %jit3A_152 : f32 to vector<1088x128xf32>
      %select_n3A_155 = arith.select %broadcast_in_dim3A_153, %max3A_132, %broadcast_in_dim3A_154 : vector<1088x128xi1>, vector<1088x128xf32>
      %convert_element_type3A_156 = arith.truncf %select_n3A_155 : vector<1088x128xf32> to vector<1088x128xbf16>
      %broadcast_in_dim3A_157 = arith.constant 0.000000e+00 : bf16
      %broadcast_in_dim3A_158 = vector.broadcast %broadcast_in_dim3A_157 : bf16 to vector<35x128xbf16>
      %swap3A = arith.constant 0 : index
      %swap3A_159 = arith.constant 0 : index
      %swap3A_160 = arith.constant 0 : index
      %swap3A_161 = arith.constant 0 : index
      %swap3A_162 = vector.load %arg6[%swap3A, %swap3A_159, %swap3A_160, %swap3A_161] : memref<1x1x1164x128xbf16, #tpu.memory_space<vmem>>, vector<1x1x35x128xbf16>
      %swap3A_163 = vector.shape_cast %swap3A_162 : vector<1x1x35x128xbf16> to vector<35x128xbf16>
      %swap3A_164 = vector.shape_cast %broadcast_in_dim3A_158 : vector<35x128xbf16> to vector<1x1x35x128xbf16>
      tpu.vector_store %arg6[%swap3A, %swap3A_159, %swap3A_160, %swap3A_161], %swap3A_164 {strides = array<i32>} : memref<1x1x1164x128xbf16, #tpu.memory_space<vmem>>, vector<1x1x35x128xbf16>,
      %swap3A_165 = arith.constant 0 : index
      %swap3A_166 = arith.constant 0 : index
      %swap3A_167 = arith.constant 35 : index
      %swap3A_168 = arith.constant 0 : index
      %swap3A_169 = vector.load %arg6[%swap3A_165, %swap3A_166, %swap3A_167, %swap3A_168] : memref<1x1x1164x128xbf16, #tpu.memory_space<vmem>>, vector<1x1x1088x128xbf16>
      %swap3A_170 = vector.shape_cast %swap3A_169 : vector<1x1x1088x128xbf16> to vector<1088x128xbf16>
      %swap3A_171 = vector.shape_cast %convert_element_type3A_156 : vector<1088x128xbf16> to vector<1x1x1088x128xbf16>
      tpu.vector_store %arg6[%swap3A_165, %swap3A_166, %swap3A_167, %swap3A_168], %swap3A_171 {strides = array<i32>} : memref<1x1x1164x128xbf16, #tpu.memory_space<vmem>>, vector<1x1x1088x128xbf16>,
      %broadcast_in_dim3A_172 = arith.constant 0.000000e+00 : bf16
      %broadcast_in_dim3A_173 = vector.broadcast %broadcast_in_dim3A_172 : bf16 to vector<41x128xbf16>
      %swap3A_174 = arith.constant 0 : index
      %swap3A_175 = arith.constant 0 : index
      %swap3A_176 = arith.constant 1123 : index
      %swap3A_177 = arith.constant 0 : index
      %swap3A_178 = vector.load %arg6[%swap3A_174, %swap3A_175, %swap3A_176, %swap3A_177] : memref<1x1x1164x128xbf16, #tpu.memory_space<vmem>>, vector<1x1x41x128xbf16>
      %swap3A_179 = vector.shape_cast %swap3A_178 : vector<1x1x41x128xbf16> to vector<41x128xbf16>
      %swap3A_180 = vector.shape_cast %broadcast_in_dim3A_173 : vector<41x128xbf16> to vector<1x1x41x128xbf16>
      tpu.vector_store %arg6[%swap3A_174, %swap3A_175, %swap3A_176, %swap3A_177], %swap3A_180 {strides = array<i32>} : memref<1x1x1164x128xbf16, #tpu.memory_space<vmem>>, vector<1x1x41x128xbf16>,
    } else {
    }
    %not3A = arith.constant true
    %not3A_4 = arith.xori %and3A, %not3A : i1
    %convert_element_type3A_5 = arith.extui %not3A_4 : i1 to i32
    %cond3A_6 = arith.constant 0 : i32
    %cond3A_7 = arith.cmpi ne, %convert_element_type3A_5, %cond3A_6 : i32
    scf.if %cond3A_7 {
      %broadcast_in_dim3A = arith.constant 0.000000e+00 : bf16
      %broadcast_in_dim3A_8 = vector.broadcast %broadcast_in_dim3A : bf16 to vector<1164x128xbf16>
      %swap3A = arith.constant 0 : index
      %swap3A_9 = arith.constant 0 : index
      %swap3A_10 = arith.constant 0 : index
      %swap3A_11 = arith.constant 0 : index
      %swap3A_12 = vector.load %arg6[%swap3A, %swap3A_9, %swap3A_10, %swap3A_11] : memref<1x1x1164x128xbf16, #tpu.memory_space<vmem>>, vector<1x1x1164x128xbf16>
      %swap3A_13 = vector.shape_cast %swap3A_12 : vector<1x1x1164x128xbf16> to vector<1164x128xbf16>
      %swap3A_14 = vector.shape_cast %broadcast_in_dim3A_8 : vector<1164x128xbf16> to vector<1x1x1164x128xbf16>
      tpu.vector_store %arg6[%swap3A, %swap3A_9, %swap3A_10, %swap3A_11], %swap3A_14 {strides = array<i32>} : memref<1x1x1164x128xbf16, #tpu.memory_space<vmem>>, vector<1x1x1164x128xbf16>,
    } else {
    }
    return
  }
  func.func @transform_0(%arg0: i32, %arg1: i32, %arg2: i32) -> (i32, i32, i32, i32) {
    %c0_i32 = arith.constant 0 : i32
    %c0_i32_0 = arith.constant 0 : i32
    %c0_i32_1 = arith.constant 0 : i32
    %c0_i32_2 = arith.constant 0 : i32
    return %arg0, %c0_i32, %c0_i32_0, %c0_i32_1 : i32, i32, i32, i32
  }
  func.func @transform_1(%arg0: i32, %arg1: i32, %arg2: i32) -> (i32, i32, i32) {
    %c0_i32 = arith.constant 0 : i32
    %c0_i32_0 = arith.constant 0 : i32
    %c0_i32_1 = arith.constant 0 : i32
    return %arg1, %c0_i32, %c0_i32_0 : i32, i32, i32
  }
  func.func @transform_2(%arg0: i32, %arg1: i32, %arg2: i32) -> (i32, i32) {
    %c0_i32 = arith.constant 0 : i32
    %c0_i32_0 = arith.constant 0 : i32
    %c0_i32_1 = arith.constant 0 : i32
    return %c0_i32, %c0_i32_0 : i32, i32
  }
  func.func @transform_3(%arg0: i32, %arg1: i32, %arg2: i32) -> (i32, i32, i32, i32) {
    %c0_i32 = arith.constant 0 : i32
    %c0_i32_0 = arith.constant 0 : i32
    return %arg0, %arg2, %c0_i32, %arg1 : i32, i32, i32, i32
  }
}

module attributes {stable_mosaic.version = 14 : i64} {
  func.func @_conv_body(%arg0: i32, %arg1: i32, %arg2: memref<1x18x1164x256xbf16, #tpu.memory_space<vmem>>, %arg3: memref<6912x8xbf16, #tpu.memory_space<vmem>>, %arg4: memref<1x8xf32, #tpu.memory_space<vmem>>, %arg5: memref<1x1x1088x8xf32, #tpu.memory_space<vmem>>) attributes {dimension_semantics = [#tpu.dimension_semantics<arbitrary>, #tpu.dimension_semantics<arbitrary>], iteration_bounds = array<i64: 4, 16>, scalar_prefetch = 0 : i64, scratch_operands = 0 : i64, tpu.core_type = #tpu.core_type<tc>, window_params = [{transform_indices = @transform_0, window_bounds = array<i64: 1, 18, 1164, 256>}, {pipeline_mode = #tpu.pipeline_mode<synchronous>, transform_indices = @transform_1, window_bounds = array<i64: 6912, 8>}, {pipeline_mode = #tpu.pipeline_mode<synchronous>, transform_indices = @transform_2, window_bounds = array<i64: 1, 8>}, {transform_indices = @transform_3, window_bounds = array<i64: 1, 1, 1088, 8>}]} {
    %add3A = arith.constant 0 : i32
    %add3A_0 = arith.addi %arg1, %add3A : i32
    %add3A_1 = arith.constant 0 : i32
    %add3A_2 = arith.addi %add3A_0, %add3A_1 : i32
    %get3A = arith.constant 0 : index
    %get3A_3 = arith.index_cast %add3A_2 : i32 to index
    %get3A_4 = arith.constant 0 : index
    %get3A_5 = arith.constant 0 : index
    %get3A_6 = vector.load %arg2[%get3A, %get3A_3, %get3A_4, %get3A_5] : memref<1x18x1164x256xbf16, #tpu.memory_space<vmem>>, vector<1x1x1088x256xbf16>
    %get3A_7 = vector.shape_cast %get3A_6 : vector<1x1x1088x256xbf16> to vector<1088x256xbf16>
    %get3A_8 = arith.constant 0 : index
    %get3A_9 = arith.index_cast %add3A_2 : i32 to index
    %get3A_10 = arith.constant 1 : index
    %get3A_11 = arith.constant 0 : index
    %get3A_12 = vector.load %arg2[%get3A_8, %get3A_9, %get3A_10, %get3A_11] : memref<1x18x1164x256xbf16, #tpu.memory_space<vmem>>, vector<1x1x1088x256xbf16>
    %get3A_13 = vector.shape_cast %get3A_12 : vector<1x1x1088x256xbf16> to vector<1088x256xbf16>
    %get3A_14 = arith.constant 0 : index
    %get3A_15 = arith.index_cast %add3A_2 : i32 to index
    %get3A_16 = arith.constant 2 : index
    %get3A_17 = arith.constant 0 : index
    %get3A_18 = vector.load %arg2[%get3A_14, %get3A_15, %get3A_16, %get3A_17] : memref<1x18x1164x256xbf16, #tpu.memory_space<vmem>>, vector<1x1x1088x256xbf16>
    %get3A_19 = vector.shape_cast %get3A_18 : vector<1x1x1088x256xbf16> to vector<1088x256xbf16>
    %get3A_20 = arith.constant 0 : index
    %get3A_21 = arith.index_cast %add3A_2 : i32 to index
    %get3A_22 = arith.constant 34 : index
    %get3A_23 = arith.constant 0 : index
    %get3A_24 = vector.load %arg2[%get3A_20, %get3A_21, %get3A_22, %get3A_23] : memref<1x18x1164x256xbf16, #tpu.memory_space<vmem>>, vector<1x1x1088x256xbf16>
    %get3A_25 = vector.shape_cast %get3A_24 : vector<1x1x1088x256xbf16> to vector<1088x256xbf16>
    %get3A_26 = arith.constant 0 : index
    %get3A_27 = arith.index_cast %add3A_2 : i32 to index
    %get3A_28 = arith.constant 35 : index
    %get3A_29 = arith.constant 0 : index
    %get3A_30 = vector.load %arg2[%get3A_26, %get3A_27, %get3A_28, %get3A_29] : memref<1x18x1164x256xbf16, #tpu.memory_space<vmem>>, vector<1x1x1088x256xbf16>
    %get3A_31 = vector.shape_cast %get3A_30 : vector<1x1x1088x256xbf16> to vector<1088x256xbf16>
    %get3A_32 = arith.constant 0 : index
    %get3A_33 = arith.index_cast %add3A_2 : i32 to index
    %get3A_34 = arith.constant 36 : index
    %get3A_35 = arith.constant 0 : index
    %get3A_36 = vector.load %arg2[%get3A_32, %get3A_33, %get3A_34, %get3A_35] : memref<1x18x1164x256xbf16, #tpu.memory_space<vmem>>, vector<1x1x1088x256xbf16>
    %get3A_37 = vector.shape_cast %get3A_36 : vector<1x1x1088x256xbf16> to vector<1088x256xbf16>
    %get3A_38 = arith.constant 0 : index
    %get3A_39 = arith.index_cast %add3A_2 : i32 to index
    %get3A_40 = arith.constant 68 : index
    %get3A_41 = arith.constant 0 : index
    %get3A_42 = vector.load %arg2[%get3A_38, %get3A_39, %get3A_40, %get3A_41] : memref<1x18x1164x256xbf16, #tpu.memory_space<vmem>>, vector<1x1x1088x256xbf16>
    %get3A_43 = vector.shape_cast %get3A_42 : vector<1x1x1088x256xbf16> to vector<1088x256xbf16>
    %get3A_44 = arith.constant 0 : index
    %get3A_45 = arith.index_cast %add3A_2 : i32 to index
    %get3A_46 = arith.constant 69 : index
    %get3A_47 = arith.constant 0 : index
    %get3A_48 = vector.load %arg2[%get3A_44, %get3A_45, %get3A_46, %get3A_47] : memref<1x18x1164x256xbf16, #tpu.memory_space<vmem>>, vector<1x1x1088x256xbf16>
    %get3A_49 = vector.shape_cast %get3A_48 : vector<1x1x1088x256xbf16> to vector<1088x256xbf16>
    %get3A_50 = arith.constant 0 : index
    %get3A_51 = arith.index_cast %add3A_2 : i32 to index
    %get3A_52 = arith.constant 70 : index
    %get3A_53 = arith.constant 0 : index
    %get3A_54 = vector.load %arg2[%get3A_50, %get3A_51, %get3A_52, %get3A_53] : memref<1x18x1164x256xbf16, #tpu.memory_space<vmem>>, vector<1x1x1088x256xbf16>
    %get3A_55 = vector.shape_cast %get3A_54 : vector<1x1x1088x256xbf16> to vector<1088x256xbf16>
    %add3A_56 = arith.constant 1 : i32
    %add3A_57 = arith.addi %arg1, %add3A_56 : i32
    %add3A_58 = arith.constant 0 : i32
    %add3A_59 = arith.addi %add3A_57, %add3A_58 : i32
    %get3A_60 = arith.constant 0 : index
    %get3A_61 = arith.index_cast %add3A_59 : i32 to index
    %get3A_62 = arith.constant 0 : index
    %get3A_63 = arith.constant 0 : index
    %get3A_64 = vector.load %arg2[%get3A_60, %get3A_61, %get3A_62, %get3A_63] : memref<1x18x1164x256xbf16, #tpu.memory_space<vmem>>, vector<1x1x1088x256xbf16>
    %get3A_65 = vector.shape_cast %get3A_64 : vector<1x1x1088x256xbf16> to vector<1088x256xbf16>
    %get3A_66 = arith.constant 0 : index
    %get3A_67 = arith.index_cast %add3A_59 : i32 to index
    %get3A_68 = arith.constant 1 : index
    %get3A_69 = arith.constant 0 : index
    %get3A_70 = vector.load %arg2[%get3A_66, %get3A_67, %get3A_68, %get3A_69] : memref<1x18x1164x256xbf16, #tpu.memory_space<vmem>>, vector<1x1x1088x256xbf16>
    %get3A_71 = vector.shape_cast %get3A_70 : vector<1x1x1088x256xbf16> to vector<1088x256xbf16>
    %get3A_72 = arith.constant 0 : index
    %get3A_73 = arith.index_cast %add3A_59 : i32 to index
    %get3A_74 = arith.constant 2 : index
    %get3A_75 = arith.constant 0 : index
    %get3A_76 = vector.load %arg2[%get3A_72, %get3A_73, %get3A_74, %get3A_75] : memref<1x18x1164x256xbf16, #tpu.memory_space<vmem>>, vector<1x1x1088x256xbf16>
    %get3A_77 = vector.shape_cast %get3A_76 : vector<1x1x1088x256xbf16> to vector<1088x256xbf16>
    %get3A_78 = arith.constant 0 : index
    %get3A_79 = arith.index_cast %add3A_59 : i32 to index
    %get3A_80 = arith.constant 34 : index
    %get3A_81 = arith.constant 0 : index
    %get3A_82 = vector.load %arg2[%get3A_78, %get3A_79, %get3A_80, %get3A_81] : memref<1x18x1164x256xbf16, #tpu.memory_space<vmem>>, vector<1x1x1088x256xbf16>
    %get3A_83 = vector.shape_cast %get3A_82 : vector<1x1x1088x256xbf16> to vector<1088x256xbf16>
    %get3A_84 = arith.constant 0 : index
    %get3A_85 = arith.index_cast %add3A_59 : i32 to index
    %get3A_86 = arith.constant 35 : index
    %get3A_87 = arith.constant 0 : index
    %get3A_88 = vector.load %arg2[%get3A_84, %get3A_85, %get3A_86, %get3A_87] : memref<1x18x1164x256xbf16, #tpu.memory_space<vmem>>, vector<1x1x1088x256xbf16>
    %get3A_89 = vector.shape_cast %get3A_88 : vector<1x1x1088x256xbf16> to vector<1088x256xbf16>
    %get3A_90 = arith.constant 0 : index
    %get3A_91 = arith.index_cast %add3A_59 : i32 to index
    %get3A_92 = arith.constant 36 : index
    %get3A_93 = arith.constant 0 : index
    %get3A_94 = vector.load %arg2[%get3A_90, %get3A_91, %get3A_92, %get3A_93] : memref<1x18x1164x256xbf16, #tpu.memory_space<vmem>>, vector<1x1x1088x256xbf16>
    %get3A_95 = vector.shape_cast %get3A_94 : vector<1x1x1088x256xbf16> to vector<1088x256xbf16>
    %get3A_96 = arith.constant 0 : index
    %get3A_97 = arith.index_cast %add3A_59 : i32 to index
    %get3A_98 = arith.constant 68 : index
    %get3A_99 = arith.constant 0 : index
    %get3A_100 = vector.load %arg2[%get3A_96, %get3A_97, %get3A_98, %get3A_99] : memref<1x18x1164x256xbf16, #tpu.memory_space<vmem>>, vector<1x1x1088x256xbf16>
    %get3A_101 = vector.shape_cast %get3A_100 : vector<1x1x1088x256xbf16> to vector<1088x256xbf16>
    %get3A_102 = arith.constant 0 : index
    %get3A_103 = arith.index_cast %add3A_59 : i32 to index
    %get3A_104 = arith.constant 69 : index
    %get3A_105 = arith.constant 0 : index
    %get3A_106 = vector.load %arg2[%get3A_102, %get3A_103, %get3A_104, %get3A_105] : memref<1x18x1164x256xbf16, #tpu.memory_space<vmem>>, vector<1x1x1088x256xbf16>
    %get3A_107 = vector.shape_cast %get3A_106 : vector<1x1x1088x256xbf16> to vector<1088x256xbf16>
    %get3A_108 = arith.constant 0 : index
    %get3A_109 = arith.index_cast %add3A_59 : i32 to index
    %get3A_110 = arith.constant 70 : index
    %get3A_111 = arith.constant 0 : index
    %get3A_112 = vector.load %arg2[%get3A_108, %get3A_109, %get3A_110, %get3A_111] : memref<1x18x1164x256xbf16, #tpu.memory_space<vmem>>, vector<1x1x1088x256xbf16>
    %get3A_113 = vector.shape_cast %get3A_112 : vector<1x1x1088x256xbf16> to vector<1088x256xbf16>
    %add3A_114 = arith.constant 2 : i32
    %add3A_115 = arith.addi %arg1, %add3A_114 : i32
    %add3A_116 = arith.constant 0 : i32
    %add3A_117 = arith.addi %add3A_115, %add3A_116 : i32
    %get3A_118 = arith.constant 0 : index
    %get3A_119 = arith.index_cast %add3A_117 : i32 to index
    %get3A_120 = arith.constant 0 : index
    %get3A_121 = arith.constant 0 : index
    %get3A_122 = vector.load %arg2[%get3A_118, %get3A_119, %get3A_120, %get3A_121] : memref<1x18x1164x256xbf16, #tpu.memory_space<vmem>>, vector<1x1x1088x256xbf16>
    %get3A_123 = vector.shape_cast %get3A_122 : vector<1x1x1088x256xbf16> to vector<1088x256xbf16>
    %get3A_124 = arith.constant 0 : index
    %get3A_125 = arith.index_cast %add3A_117 : i32 to index
    %get3A_126 = arith.constant 1 : index
    %get3A_127 = arith.constant 0 : index
    %get3A_128 = vector.load %arg2[%get3A_124, %get3A_125, %get3A_126, %get3A_127] : memref<1x18x1164x256xbf16, #tpu.memory_space<vmem>>, vector<1x1x1088x256xbf16>
    %get3A_129 = vector.shape_cast %get3A_128 : vector<1x1x1088x256xbf16> to vector<1088x256xbf16>
    %get3A_130 = arith.constant 0 : index
    %get3A_131 = arith.index_cast %add3A_117 : i32 to index
    %get3A_132 = arith.constant 2 : index
    %get3A_133 = arith.constant 0 : index
    %get3A_134 = vector.load %arg2[%get3A_130, %get3A_131, %get3A_132, %get3A_133] : memref<1x18x1164x256xbf16, #tpu.memory_space<vmem>>, vector<1x1x1088x256xbf16>
    %get3A_135 = vector.shape_cast %get3A_134 : vector<1x1x1088x256xbf16> to vector<1088x256xbf16>
    %get3A_136 = arith.constant 0 : index
    %get3A_137 = arith.index_cast %add3A_117 : i32 to index
    %get3A_138 = arith.constant 34 : index
    %get3A_139 = arith.constant 0 : index
    %get3A_140 = vector.load %arg2[%get3A_136, %get3A_137, %get3A_138, %get3A_139] : memref<1x18x1164x256xbf16, #tpu.memory_space<vmem>>, vector<1x1x1088x256xbf16>
    %get3A_141 = vector.shape_cast %get3A_140 : vector<1x1x1088x256xbf16> to vector<1088x256xbf16>
    %get3A_142 = arith.constant 0 : index
    %get3A_143 = arith.index_cast %add3A_117 : i32 to index
    %get3A_144 = arith.constant 35 : index
    %get3A_145 = arith.constant 0 : index
    %get3A_146 = vector.load %arg2[%get3A_142, %get3A_143, %get3A_144, %get3A_145] : memref<1x18x1164x256xbf16, #tpu.memory_space<vmem>>, vector<1x1x1088x256xbf16>
    %get3A_147 = vector.shape_cast %get3A_146 : vector<1x1x1088x256xbf16> to vector<1088x256xbf16>
    %get3A_148 = arith.constant 0 : index
    %get3A_149 = arith.index_cast %add3A_117 : i32 to index
    %get3A_150 = arith.constant 36 : index
    %get3A_151 = arith.constant 0 : index
    %get3A_152 = vector.load %arg2[%get3A_148, %get3A_149, %get3A_150, %get3A_151] : memref<1x18x1164x256xbf16, #tpu.memory_space<vmem>>, vector<1x1x1088x256xbf16>
    %get3A_153 = vector.shape_cast %get3A_152 : vector<1x1x1088x256xbf16> to vector<1088x256xbf16>
    %get3A_154 = arith.constant 0 : index
    %get3A_155 = arith.index_cast %add3A_117 : i32 to index
    %get3A_156 = arith.constant 68 : index
    %get3A_157 = arith.constant 0 : index
    %get3A_158 = vector.load %arg2[%get3A_154, %get3A_155, %get3A_156, %get3A_157] : memref<1x18x1164x256xbf16, #tpu.memory_space<vmem>>, vector<1x1x1088x256xbf16>
    %get3A_159 = vector.shape_cast %get3A_158 : vector<1x1x1088x256xbf16> to vector<1088x256xbf16>
    %get3A_160 = arith.constant 0 : index
    %get3A_161 = arith.index_cast %add3A_117 : i32 to index
    %get3A_162 = arith.constant 69 : index
    %get3A_163 = arith.constant 0 : index
    %get3A_164 = vector.load %arg2[%get3A_160, %get3A_161, %get3A_162, %get3A_163] : memref<1x18x1164x256xbf16, #tpu.memory_space<vmem>>, vector<1x1x1088x256xbf16>
    %get3A_165 = vector.shape_cast %get3A_164 : vector<1x1x1088x256xbf16> to vector<1088x256xbf16>
    %get3A_166 = arith.constant 0 : index
    %get3A_167 = arith.index_cast %add3A_117 : i32 to index
    %get3A_168 = arith.constant 70 : index
    %get3A_169 = arith.constant 0 : index
    %get3A_170 = vector.load %arg2[%get3A_166, %get3A_167, %get3A_168, %get3A_169] : memref<1x18x1164x256xbf16, #tpu.memory_space<vmem>>, vector<1x1x1088x256xbf16>
    %get3A_171 = vector.shape_cast %get3A_170 : vector<1x1x1088x256xbf16> to vector<1088x256xbf16>
    %concatenate3A = tpu.concatenate %get3A_7, %get3A_13, %get3A_19, %get3A_25, %get3A_31, %get3A_37, %get3A_43, %get3A_49, %get3A_55, %get3A_65, %get3A_71, %get3A_77, %get3A_83, %get3A_89, %get3A_95, %get3A_101, %get3A_107, %get3A_113, %get3A_123, %get3A_129, %get3A_135, %get3A_141, %get3A_147, %get3A_153, %get3A_159, %get3A_165, %get3A_171 in 1 : vector<1088x256xbf16>, vector<1088x256xbf16>, vector<1088x256xbf16>, vector<1088x256xbf16>, vector<1088x256xbf16>, vector<1088x256xbf16>, vector<1088x256xbf16>, vector<1088x256xbf16>, vector<1088x256xbf16>, vector<1088x256xbf16>, vector<1088x256xbf16>, vector<1088x256xbf16>, vector<1088x256xbf16>, vector<1088x256xbf16>, vector<1088x256xbf16>, vector<1088x256xbf16>, vector<1088x256xbf16>, vector<1088x256xbf16>, vector<1088x256xbf16>, vector<1088x256xbf16>, vector<1088x256xbf16>, vector<1088x256xbf16>, vector<1088x256xbf16>, vector<1088x256xbf16>, vector<1088x256xbf16>, vector<1088x256xbf16>, vector<1088x256xbf16> -> vector<1088x6912xbf16>
    %get3A_172 = arith.constant 0 : index
    %get3A_173 = arith.constant 0 : index
    %get3A_174 = vector.load %arg3[%get3A_172, %get3A_173] : memref<6912x8xbf16, #tpu.memory_space<vmem>>, vector<6912x8xbf16>
    %dot_general3A = arith.constant dense<0.000000e+00> : vector<1088x8xf32>
    %dot_general3A_175 = tpu.matmul %concatenate3A, %get3A_174, %dot_general3A {dimension_numbers = #tpu.dot_dimension_numbers<[1], [0], [0], [1], [0, 0, 1, 1], [], []>, transpose_lhs_hint = false} : vector<1088x6912xbf16>, vector<6912x8xbf16>, vector<1088x8xf32> -> vector<1088x8xf32>
    %get3A_176 = arith.constant 0 : index
    %get3A_177 = arith.constant 0 : index
    %get3A_178 = vector.load %arg4[%get3A_176, %get3A_177] : memref<1x8xf32, #tpu.memory_space<vmem>>, vector<1x8xf32>
    %add3A_179 = vector.broadcast %get3A_178 : vector<1x8xf32> to vector<1088x8xf32>
    %add3A_180 = arith.addf %dot_general3A_175, %add3A_179 : vector<1088x8xf32>
    %logistic3A = arith.negf %add3A_180 : vector<1088x8xf32>
    %logistic3A_181 = math.exp %logistic3A : vector<1088x8xf32>
    %logistic3A_182 = arith.constant 1.000000e+00 : f32
    %logistic3A_183 = vector.broadcast %logistic3A_182 : f32 to vector<1088x8xf32>
    %logistic3A_184 = arith.addf %logistic3A_183, %logistic3A_181 : vector<1088x8xf32>
    %logistic3A_185 = arith.divf %logistic3A_183, %logistic3A_184 : vector<1088x8xf32>
    %swap3A = arith.constant 0 : index
    %swap3A_186 = arith.constant 0 : index
    %swap3A_187 = arith.constant 0 : index
    %swap3A_188 = arith.constant 0 : index
    %swap3A_189 = vector.load %arg5[%swap3A, %swap3A_186, %swap3A_187, %swap3A_188] : memref<1x1x1088x8xf32, #tpu.memory_space<vmem>>, vector<1x1x1088x8xf32>
    %swap3A_190 = vector.shape_cast %swap3A_189 : vector<1x1x1088x8xf32> to vector<1088x8xf32>
    %swap3A_191 = vector.shape_cast %logistic3A_185 : vector<1088x8xf32> to vector<1x1x1088x8xf32>
    tpu.vector_store %arg5[%swap3A, %swap3A_186, %swap3A_187, %swap3A_188], %swap3A_191 {strides = array<i32>} : memref<1x1x1088x8xf32, #tpu.memory_space<vmem>>, vector<1x1x1088x8xf32>,
    return
  }
  func.func @transform_0(%arg0: i32, %arg1: i32) -> (i32, i32, i32, i32) {
    %c0_i32 = arith.constant 0 : i32
    %c0_i32_0 = arith.constant 0 : i32
    %c0_i32_1 = arith.constant 0 : i32
    %c0_i32_2 = arith.constant 0 : i32
    return %arg0, %c0_i32, %c0_i32_0, %c0_i32_1 : i32, i32, i32, i32
  }
  func.func @transform_1(%arg0: i32, %arg1: i32) -> (i32, i32) {
    %c0_i32 = arith.constant 0 : i32
    %c0_i32_0 = arith.constant 0 : i32
    %c0_i32_1 = arith.constant 0 : i32
    return %c0_i32, %c0_i32_0 : i32, i32
  }
  func.func @transform_2(%arg0: i32, %arg1: i32) -> (i32, i32) {
    %c0_i32 = arith.constant 0 : i32
    %c0_i32_0 = arith.constant 0 : i32
    %c0_i32_1 = arith.constant 0 : i32
    return %c0_i32, %c0_i32_0 : i32, i32
  }
  func.func @transform_3(%arg0: i32, %arg1: i32) -> (i32, i32, i32, i32) {
    %c0_i32 = arith.constant 0 : i32
    %c0_i32_0 = arith.constant 0 : i32
    %c0_i32_1 = arith.constant 0 : i32
    return %arg0, %arg1, %c0_i32, %c0_i32_0 : i32, i32, i32, i32
  }
}

</mosaic_0001>

<sc_bundles>
// kernel: kernel.10.cloned.1.call-start
scs
__scs_entry_jumppad:
0x0: {  	(pc) =	sbr.rel $0x88, $3  }
0x1: {  	(tag) =	ssettag $0x0;
	lr =	simm.s32 $0x1  }
0x2: {  	[smem:$0x3F83] =	sst lr;
	_ =	strace $0xD0000000  }
0x3: {  	_ = 	snop  }
0x4: {  	_ = 	snop  }
0x5: {  	_ = 	snop  }
0x6: {  	_ = 	snop  }
0x7: {  	_ = 	snop  }
__scs_overlays_trampoline_lowered:
0x8: {  	[smem:$0x3F92] =	sst s0  }
0x9: {  	[smem:$0x3F93] =	sst s1  }
0xa: {  	[smem:$0x3F94] =	sst s2  }
0xb: {  	[smem:$0x3F95] =	sst s3  }
0xc: {  	[smem:$0x3F96] =	sst s4  }
0xd: {  	[smem:$0x3F97] =	sst s5  }
0xe: {  	[smem:$0x3F98] =	sst s6  }
0xf: {  	[smem:$0x3F99] =	sst s7  }
0x10: {  	[smem:$0x3F9A] =	sst s8  }
0x11: {  	[smem:$0x3F9B] =	sst s9;
	s0 =	simm.s32 @!p0 $0x0  }
0x12: {  	s1 =	sld [smem:$0x3F81];
	s0 =	simm.s32 @p0 $0x1  }
0x13: {  	[smem:$0x3F9C] =	sst s0;
	s0 =	simm.s32 @!p1 $0x0  }
0x14: {  	s2 =	sld [smem:$0x3F80];
	s0 =	simm.s32 @p1 $0x1  }
0x15: {  	[smem:$0x3F9D] =	sst s0;
	s0 =	simm.s32 @!p2 $0x0  }
0x16: {  	s3 =	sld [smem:$0x3FDB];
	s0 =	simm.s32 @p2 $0x1  }
0x17: {  	s4 =	simm.s32 $0x1BF5;
	[smem:$0x3F9F] =	sst s0  }
0x18: {  	s0 =	sld [smem:$0x3F82];
	_ =	swait.ge [sflag:s4], $0x0  }
0x19: {  	s7 =	sld [smem:$0x3F83]  }
0x1a: {  	s8 =	sadd.s32 $0xFFFFE003, lr  }
0x1b: {  	s9 =	sadd.s32 $0xFFFFFEF7, lr;
	s5 =	simm.s32 $0xFFFFFFFF;
	p2 =	slt.u32 s8, $0xFFFFF086  }
0x1c: {  	p1 =	slt.u32 s9, $0xF7A;
	s5 =	simm.s32 @!p2 $0x0  }
0x1d: {  	s5 =	simm.s32 @p1 $0x1;
	p0 =	seq.s32 s7, s2  }
0x1e: {  	s7 =	smul.u32 @!p0 $0xF7A, s2;
	p2 =	seq.s32 @!p0 s5, $0x0  }
0x1f: {  	s9 =	smul.u32 $0xF7A, s1;
	s8 =	simm.s32 @!p0 $0x1BF5;
	p2 =	por !p2, p0  }
0x20: {  	[sflag:s8] =	ssyncset.s32 @!p0 $0xFFFFF086;
	s6 =	sadd.s32 @!p0 s3, s7;
	s7 =	simm.s32 @!p0 $0x108  }
0x21: {  	s3 =	sadd.s32 s3, s9;
	s6 =	sadd.s32 @!p0 $0x88, s6;
	s7 =	simm.s32 @p2 $0x1082  }
0x22: {  	[simem:s7], [sflag:s8] =	dma.local @!p0 [hbm:s6], $0xF7A  }
0x23: {  	s9 =	sor.u32 $0xD0000000, s2;
	s6 =	simm.s32 $0x108;
	_ =	swait.ge @!p0 [sflag:s8], $0x0  }
0x24: {  	s3 =	sadd.s32 $0x88, s3;
	s6 =	simm.s32 @!p1 $0x1082;
	[sflag:s4] =	ssyncset.s32 $0xFFFFF086  }
0x25: {  	[simem:s6], [sflag:s4] =	dma.local [hbm:s3], $0xF7A  }
0x26: {  	[smem:$0x3F83] =	sst s1;
	(tag) =	ssettag s2;
	_ =	strace s9  }
0x27: {  	s1 =	sld [smem:$0x3F93]  }
0x28: {  	s2 =	sld [smem:$0x3F94]  }
0x29: {  	s4 =	sld [smem:$0x3F96]  }
0x2a: {  	p0 =	seq.s32 s5, $0x0;
	s5 =	sld [smem:$0x3F97]  }
0x2b: {  	s6 =	sld [smem:$0x3F98]  }
0x2c: {  	s7 =	sld [smem:$0x3F99]  }
0x2d: {  	s3 =	simm.s32 $0x108;
	s8 =	sld [smem:$0x3F9A]  }
0x2e: {  	s3 =	simm.s32 @!p0 $0x1082;
	s9 =	sld [smem:$0x3F9B]  }
0x2f: {  	lr =	sadd.s32 s0, s3;
	s0 =	sld [smem:$0x3F92]  }
0x30: {  	s3 =	sld [smem:$0x3F95]  }
0x31: {  	[smem:$0x3F9E] =	sst s10  }
0x32: {  	s10 =	sld [smem:$0x3F9C];
	_ =	sdelay $0x3  }
0x33: {  	p0 =	seq.s32 s10, $0x1;
	s10 =	sld [smem:$0x3F9E];
	_ =	sdelay $0x3  }
0x34: {  	[smem:$0x3F9E] =	sst s10  }
0x35: {  	s10 =	sld [smem:$0x3F9D];
	_ =	sdelay $0x3  }
0x36: {  	p1 =	seq.s32 s10, $0x1;
	s10 =	sld [smem:$0x3F9E];
	_ =	sdelay $0x3  }
0x37: {  	[smem:$0x3F9E] =	sst s10  }
0x38: {  	s10 =	sld [smem:$0x3F9F]  }
0x39: {  	_ = 	snop;
	(pc) =	sbr.ind lr, $3  }
0x3a: {  	_ = 	snop  }
0x3b: {  	_ = 	snop  }
0x3c: {  	p2 =	seq.s32 s10, $0x1;
	s10 =	sld [smem:$0x3F9E]  }
0x3d: {  	_ =	shalt  }
0x3e: {  	_ =	shalt  }
0x3f: {  	_ =	shalt  }
0x40: {  	_ =	shalt  }
0x41: {  	_ =	shalt  }
0x42: {  	_ =	shalt  }
0x43: {  	_ =	shalt  }
0x44: {  	_ =	shalt  }
0x45: {  	_ =	shalt  }
0x46: {  	_ =	shalt  }
0x47: {  	_ =	shalt  }
0x48: {  	_ =	shalt  }
0x49: {  	_ =	shalt  }
0x4a: {  	_ =	shalt  }
0x4b: {  	_ =	shalt  }
0x4c: {  	_ =	shalt  }
0x4d: {  	_ =	shalt  }
0x4e: {  	_ =	shalt  }
0x4f: {  	_ =	shalt  }
0x50: {  	_ =	shalt  }
0x51: {  	_ =	shalt  }
0x52: {  	_ =	shalt  }
0x53: {  	_ =	shalt  }
0x54: {  	_ =	shalt  }
0x55: {  	_ =	shalt  }
0x56: {  	_ =	shalt  }
0x57: {  	_ =	shalt  }
0x58: {  	_ =	shalt  }
0x59: {  	_ =	shalt  }
0x5a: {  	_ =	shalt  }
0x5b: {  	_ =	shalt  }
0x5c: {  	_ =	shalt  }
0x5d: {  	_ =	shalt  }
0x5e: {  	_ =	shalt  }
0x5f: {  	_ =	shalt  }
0x60: {  	_ =	shalt  }
0x61: {  	_ =	shalt  }
0x62: {  	_ =	shalt  }
0x63: {  	_ =	shalt  }
0x64: {  	_ =	shalt  }
0x65: {  	_ =	shalt  }
0x66: {  	_ =	shalt  }
0x67: {  	_ =	shalt  }
0x68: {  	_ =	shalt  }
0x69: {  	_ =	shalt  }
0x6a: {  	_ =	shalt  }
0x6b: {  	_ =	shalt  }
0x6c: {  	_ =	shalt  }
0x6d: {  	_ =	shalt  }
0x6e: {  	_ =	shalt  }
0x6f: {  	_ =	shalt  }
0x70: {  	_ =	shalt  }
0x71: {  	_ =	shalt  }
0x72: {  	_ =	shalt  }
0x73: {  	_ =	shalt  }
0x74: {  	_ =	shalt  }
0x75: {  	_ =	shalt  }
0x76: {  	_ =	shalt  }
0x77: {  	_ =	shalt  }
0x78: {  	_ =	shalt  }
0x79: {  	_ =	shalt  }
0x7a: {  	_ =	shalt  }
0x7b: {  	_ =	shalt  }
0x7c: {  	_ =	shalt  }
0x7d: {  	_ =	shalt  }
0x7e: {  	_ =	shalt  }
0x7f: {  	_ =	shalt  }
0x80: {  	_ =	shalt  }
0x81: {  	_ =	shalt  }
0x82: {  	_ =	shalt  }
0x83: {  	_ =	shalt  }
0x84: {  	_ =	shalt  }
0x85: {  	_ =	shalt  }
0x86: {  	_ =	shalt  }
0x87: {  	_ =	shalt  }
.Lfunc_end0:
.L_simem_size_0:
called_computation_lowered:
.L_overlay_start_0:
0x88: {  	s2 =	sld [smem:$0x3FD9]  }
0x89: {  	s3 =	sld [smem:$0x3FFE];
	_ =	sdelay $0x1  }
0x8a: {  	s1 =	srdreg.scid  }
0x8b: {  	s0 =	sand.u32 $0x1, s1  }
0x8c: {  	s14 =	sshll.u32 s0, $0xA;
	s2 =	sadd.s32 s3, s2  }
0x8d: {  	s2 =	sadd.s32 s2, s14  }
0x8e: {  	[smem:$0x3FAA] =	sst s2  }
0x8f: {  	_ = 	snop  }
0x90: {  	s2 =	sld [smem:$0x3FD0];
	_ =	sdelay $0x2  }
0x91: {  	s15 =	simm.s32 $0xA;
	s4 =	simm.s32 $0x10  }
0x92: {  	[smem:s4], [sflag:s15] =	dma.local [hbm:s2], $0x1  }
0x93: {  	_ =	swait.eq [sflag:s15], $0x1  }
0x94: {  	[sflag:s15] =	ssyncset.done $0x0  }
0x95: {  	[sflag:s15] =	ssyncadd.s32 $0xFFFFFFFF  }
0x96: {  	s16 =	sld [smem:$0x10];
	(tm) =	ssettm $0x1  }
0x97: {  	s17 =	sld [smem:$0x3FFB];
	_ =	sdelay $0x3  }
0x98: {  	_ =	strace s17  }
0x99: {  	s3 =	sld [smem:$0x3FFC];
	_ =	sdelay $0x3  }
0x9a: {  	_ =	strace s3  }
0x9b: {  	s3 =	sld [smem:$0x3FFD];
	_ =	sdelay $0x3  }
0x9c: {  	_ =	strace s3  }
0x9d: {  	_ =	strace $0x8FFFFFFF  }
0x9e: {  	s18 =	sld [smem:$0x3FDB];
	_ =	sdelay $0x1  }
0x9f: {  	s19 =	simm.s32 $_scs_section_size  }
0xa0: {  	s5 =	simm.s32 $_size__tile_overlayer_lowered;
	s6 =	simm.s32 $_tile_overlayer_lowered  }
0xa1: {  	s22 =	simm.s32 $0x1BFF;
	s21 =	sshll.u32 s6, $0x1;
	s3 =	sadd.s32 s19, s18  }
0xa2: {  	s7 =	simm.s32 $0x0;
	s20 =	sshll.u32 s5, $0x1;
	s5 =	sadd.s32 s21, s3  }
0xa3: {  	[timem:s7], [sflag:s22] =	dma.local [hbm:s5], s20  }
0xa4: {  	_ =	swait.ge [sflag:s22], s20  }
0xa5: {  	s4 =	ssub.s32 $0x0, s20;
	[sflag:s22] =	ssyncset.done $0x0  }
0xa6: {  	[sflag:s22] =	ssyncadd.s32 s4;
	_ =	sdelay $0x1  }
0xa7: {  	s23 =	simm.s32 $0x1B8B  }
0xa8: {  	_ =	swait.ge [sflag:s23], $0x1  }
0xa9: {  	[sflag:s23] =	ssyncset.done $0x0  }
0xaa: {  	s25 =	simm.s32 $0x1B8E;
	s24 =	sld [smem:$0x3FFE];
	[sflag:s23] =	ssyncadd.s32 $0xFFFFFFFF  }
0xab: {  	s26 =	simm.s32 $execute0_lowered;
	[smem:$0x3FD2] =	sst s25  }
0xac: {  	s5 =	sshll.u32 s26, $0x1;
	_ =	strace $0x80000046;
	[dreg:$0x1] =	wrdreg $0xFFFFFFFF  }
0xad: {  	s28 =	simm.s32 $_size_execute0_lowered;
	s3 =	sadd.s32 s3, s5;
	[dreg:$0x0] =	wrdreg $0x0  }
0xae: {  	s5 =	sshll.u32 s28, $0x1;
	[dreg:$0x2] =	wrdreg s3  }
0xaf: {  	[dreg:$0x3] =	wrdreg s5  }
0xb0: {  	[dreg:$0x4] =	wrdreg $0xC0  }
0xb1: {  	_ =	task [dreg:s7], $0x5FFFF  }
0xb2: {  	[dreg:$0x1] =	wrdreg $0xFFFFFFFF  }
0xb3: {  	[dreg:$0x0] =	wrdreg $0x60  }
0xb4: {  	[dreg:$0x2] =	wrdreg s24  }
0xb5: {  	[dreg:$0x3] =	wrdreg s16  }
0xb6: {  	[dreg:$0x4] =	wrdreg $0x9  }
0xb7: {  	_ =	task.clear_ibuf [dreg:s7], $0x5FFFF;
	_ =	strace $0x90000046  }
0xb8: {  	s29 =	simm.s32 $0x9;
	_ =	strace $0x80000048  }
0xb9: {  	_ =	swait.ge [sflag:s29], $0x1  }
0xba: {  	[sflag:s29] =	ssyncadd.s32 $0xFFFFFFFF  }
0xbb: {  	_ =	strace $0x90000048  }
0xbc: {  	_ =	sfence  }
0xbd: {  	s30 =	sld [smem:$0x0];
	_ =	sdelay $0x2  }
0xbe: {  	s31 =	sshll.u32 s1, $0xD;
	s1 =	sshrl.u32 s1, $0x2  }
0xbf: {  	s3 =	sand.u32 $0x4000, s31;
	s1 =	sadd.s32 s1, s30  }
0xc0: {  	s0 =	sor.u32 s3, s0;
	s1 =	sshll.u32 s1, $0x11  }
0xc1: {  	s0 =	sor.u32 s1, s0  }
0xc2: {  	s0 =	sadd.s32 $0x8F2B, s0  }
0xc3: {  	[sflag:s0] =	ssyncadd.remote.s32 $0x1  }
0xc4: {  	_ =	sfence.sel $0xFFFF  }
0xc5: {  	[dreg:$0x0] =	wrdreg $0xFFFFFFFF;
	(pc) =	sbr.abs _section_cstart, $3  }
0xc6: {  	[dreg:$0x1] =	wrdreg $0xFFFFFFFF  }
0xc7: {  	_ =	task.clear_ibuf [dreg:s7], $0x2FFFF;
	_ =	strace $0x9FFFFFFF  }
0xc8: {  	(tm) =	ssettm $0x7FFFFFFF  }
0xc9: {  	_ =	shalt  }
tec
execute0_lowered:
.L_overlay_start_1:
0x0: {  	(tag) =	ssettag $0x1  }
0x1: {  	s0 =	srdreg.scid;
	s2 =	stileid.u32  }
0x2: {  	s1 =	sand.u32 $0x1, s0;
	s20 =	sshll.u32 s2, $0x1  }
0x3: {  	s23 =	sor.u32 s1, s20  }
0x4: {  	s15 =	smul.u32 $0x880, s23  }
0x5: {  	s22 =	rddreg [dreg:$0x0]  }
0x6: {  	s21 =	rddreg [dreg:$0x1];
	s2 =	simm.s32 $0x0;
	s3 =	sshrl.u32 s15, $0x3  }
0x7: {  	[smem:$0x7FF] =	sst s2;
	s24 =	sadd.s32 $0x110, s15;
	s3 =	sadd.s32 s21, s3  }
0x8: {  	_ =	strace $0x80000047;
	s25 =	sshrl.u32 s24, $0x3;
	[dreg:$0x3] =	wrdreg s3  }
0x9: {  	s3 =	sadd.s32 s21, s25;
	s4 =	rddreg [dreg:$0x3]  }
0xa: {  	[dreg:$0x4] =	wrdreg s3;
	s3 =	simm.s32 $0x3  }
0xb: {  	[tilespmem:s2], [sflag:$0x3] =	stream.linear.gather [hbm4b:s4+s2], $0x110, $0x38;
	[tilespmem:$0x11C00] =	vst v63  }
0xc: {  	_ =	swait.ge [sflag:s3], $0x110  }
0xd: {  	[sflag:s3] =	ssyncset.done $0x0  }
0xe: {  	s4 =	simm.s32 $0x180;
	s5 =	rddreg [dreg:$0x4];
	[sflag:s3] =	ssyncadd.s32 $0xFFFFFEF0  }
0xf: {  	[tilespmem:s4], [sflag:$0x3] =	stream.linear.gather [hbm4b:s5+s2], $0x110, $0x38;
	[tilespmem:$0x11C00] =	vst v63  }
0x10: {  	s25 =	sadd.s32 $0x220, s15;
	_ =	swait.ge [sflag:s3], $0x110  }
0x11: {  	s26 =	sshrl.u32 s25, $0x3;
	[sflag:s3] =	ssyncset.done $0x0  }
0x12: {  	s6 =	simm.s32 $0x300;
	s5 =	sadd.s32 s21, s26;
	[sflag:s3] =	ssyncadd.s32 $0xFFFFFEF0  }
0x13: {  	[tilespmem:s6], [sflag:$0x3] =	stream.linear.gather [hbm4b:s5+s2], $0x110, $0x38;
	[tilespmem:$0x11C00] =	vst v63  }
0x14: {  	s26 =	sadd.s32 $0x330, s15;
	_ =	swait.ge [sflag:s3], $0x110  }
0x15: {  	s7 =	sshrl.u32 s26, $0x3;
	[sflag:s3] =	ssyncset.done $0x0  }
0x16: {  	s8 =	simm.s32 $0x480;
	s7 =	sadd.s32 s21, s7;
	[sflag:s3] =	ssyncadd.s32 $0xFFFFFEF0  }
0x17: {  	[tilespmem:s8], [sflag:$0x3] =	stream.linear.gather [hbm4b:s7+s2], $0x110, $0x38;
	[tilespmem:$0x11C00] =	vst v63  }
0x18: {  	s28 =	sadd.s32 $0x440, s15;
	_ =	swait.ge [sflag:s3], $0x110  }
0x19: {  	s9 =	sshrl.u32 s28, $0x3;
	[sflag:s3] =	ssyncset.done $0x0  }
0x1a: {  	s10 =	simm.s32 $0x600;
	s9 =	sadd.s32 s21, s9;
	[sflag:s3] =	ssyncadd.s32 $0xFFFFFEF0  }
0x1b: {  	[tilespmem:s10], [sflag:$0x3] =	stream.linear.gather [hbm4b:s9+s2], $0x110, $0x38;
	[tilespmem:$0x11C00] =	vst v63  }
0x1c: {  	s29 =	sadd.s32 $0x550, s15;
	_ =	swait.ge [sflag:s3], $0x110  }
0x1d: {  	s11 =	sshrl.u32 s29, $0x3;
	[sflag:s3] =	ssyncset.done $0x0  }
0x1e: {  	s12 =	simm.s32 $0x780;
	s11 =	sadd.s32 s21, s11;
	[sflag:s3] =	ssyncadd.s32 $0xFFFFFEF0  }
0x1f: {  	[tilespmem:s12], [sflag:$0x3] =	stream.linear.gather [hbm4b:s11+s2], $0x110, $0x38;
	[tilespmem:$0x11C00] =	vst v63  }
0x20: {  	s14 =	simm.s32 $0x900;
	s30 =	sadd.s32 $0x660, s15;
	_ =	swait.ge [sflag:s3], $0x110  }
0x21: {  	s13 =	sshrl.u32 s30, $0x3;
	s15 =	sadd.s32 $0x770, s15;
	[sflag:s3] =	ssyncset.done $0x0  }
0x22: {  	s13 =	sadd.s32 s21, s13;
	[dreg:$0x5] =	wrdreg s15;
	[sflag:s3] =	ssyncadd.s32 $0xFFFFFEF0  }
0x23: {  	[tilespmem:s14], [sflag:$0x3] =	stream.linear.gather [hbm4b:s13+s2], $0x110, $0x38;
	[tilespmem:$0x11C00] =	vst v63  }
0x24: {  	_ =	swait.ge [sflag:s3], $0x110  }
0x25: {  	s15 =	sshrl.u32 s15, $0x3;
	[sflag:s3] =	ssyncset.done $0x0  }
0x26: {  	s16 =	simm.s32 $0xA80;
	s15 =	sadd.s32 s21, s15;
	[sflag:s3] =	ssyncadd.s32 $0xFFFFFEF0  }
0x27: {  	[tilespmem:s16], [sflag:$0x3] =	stream.linear.gather [hbm4b:s15+s2], $0x110, $0x38;
	[tilespmem:$0x11C00] =	vst v63  }
0x28: {  	_ =	swait.ge [sflag:s3], $0x110  }
0x29: {  	s18 =	simm.s32 $0x110;
	[sflag:s3] =	ssyncset.done $0x0  }
0x2a: {  	s19 =	simm.s32 $0xC00;
	s17 =	sadd.s32 $0x4600, s22;
	[sflag:s3] =	ssyncadd.s32 $0xFFFFFEF0  }
0x2b: {  	[tilespmem:s19], [sflag:$0x1] =	stream.indirect.gather [hbm4b:s17+s18], $0x80, s2, s18, $0xb8;
	[tilespmem:$0x11C00] =	vst v63  }
0x2c: {  	s20 =	simm.s32 $0x9400;
	s21 =	simm.s32 $0x1  }
0x2d: {  	[tilespmem:s20], [sflag:$0x2] =	stream.indirect.gather [hbm4b:s17+s18], $0x80, s4, s18, $0xb8;
	[tilespmem:$0x11C00] =	vst v63  }
0x2e: {  	s23 =	smul.u32 $0x8800, s23;
	_ =	swait.ge [sflag:s21], $0x8800  }
0x2f: {  	s0 =	sadd.s32 $0x6800, s22;
	[sflag:s21] =	ssyncset.done $0x0  }
0x30: {  	s22 =	sadd.s32 s0, s23;
	[sflag:s21] =	ssyncadd.s32 $0xFFFF7800  }
0x31: {  	[hbm4b:s22+s2] =	stream.linear.scatter [tilespmem:s19], [sflag:$0x3], $0x8800, $0x38;
	[tilespmem:$0x11C00] =	vst v63  }
0x32: {  	_ =	swait.ge [sflag:s3], $0x8800  }
0x33: {  	[sflag:s3] =	ssyncset.done $0x0  }
0x34: {  	s23 =	simm.s32 $0x2;
	[sflag:s3] =	ssyncadd.s32 $0xFFFF7800  }
0x35: {  	[tilespmem:s19], [sflag:$0x1] =	stream.indirect.gather [hbm4b:s17+s18], $0x80, s6, s18, $0xb8;
	[tilespmem:$0x11C00] =	vst v63  }
0x36: {  	_ =	swait.ge [sflag:s23], $0x8800  }
0x37: {  	s24 =	sshll.u32 s24, $0x4;
	[sflag:s23] =	ssyncset.done $0x0  }
0x38: {  	s24 =	sadd.s32 s0, s24;
	[sflag:s23] =	ssyncadd.s32 $0xFFFF7800  }
0x39: {  	[hbm4b:s24+s2] =	stream.linear.scatter [tilespmem:s20], [sflag:$0x3], $0x8800, $0x38;
	[tilespmem:$0x11C00] =	vst v63  }
0x3a: {  	_ =	swait.ge [sflag:s3], $0x8800  }
0x3b: {  	[sflag:s3] =	ssyncset.done $0x0  }
0x3c: {  	[sflag:s3] =	ssyncadd.s32 $0xFFFF7800  }
0x3d: {  	[tilespmem:s20], [sflag:$0x2] =	stream.indirect.gather [hbm4b:s17+s18], $0x80, s8, s18, $0xb8;
	[tilespmem:$0x11C00] =	vst v63  }
0x3e: {  	_ =	swait.ge [sflag:s21], $0x8800  }
0x3f: {  	s25 =	sshll.u32 s25, $0x4;
	[sflag:s21] =	ssyncset.done $0x0  }
0x40: {  	s25 =	sadd.s32 s0, s25;
	[sflag:s21] =	ssyncadd.s32 $0xFFFF7800  }
0x41: {  	[hbm4b:s25+s2] =	stream.linear.scatter [tilespmem:s19], [sflag:$0x3], $0x8800, $0x38;
	[tilespmem:$0x11C00] =	vst v63  }
0x42: {  	_ =	swait.ge [sflag:s3], $0x8800  }
0x43: {  	[sflag:s3] =	ssyncset.done $0x0  }
0x44: {  	[sflag:s3] =	ssyncadd.s32 $0xFFFF7800  }
0x45: {  	[tilespmem:s19], [sflag:$0x1] =	stream.indirect.gather [hbm4b:s17+s18], $0x80, s10, s18, $0xb8;
	[tilespmem:$0x11C00] =	vst v63  }
0x46: {  	_ =	swait.ge [sflag:s23], $0x8800  }
0x47: {  	s26 =	sshll.u32 s26, $0x4;
	[sflag:s23] =	ssyncset.done $0x0  }
0x48: {  	s26 =	sadd.s32 s0, s26;
	[sflag:s23] =	ssyncadd.s32 $0xFFFF7800  }
0x49: {  	[hbm4b:s26+s2] =	stream.linear.scatter [tilespmem:s20], [sflag:$0x3], $0x8800, $0x38;
	[tilespmem:$0x11C00] =	vst v63  }
0x4a: {  	_ =	swait.ge [sflag:s3], $0x8800  }
0x4b: {  	[sflag:s3] =	ssyncset.done $0x0  }
0x4c: {  	[sflag:s3] =	ssyncadd.s32 $0xFFFF7800  }
0x4d: {  	[tilespmem:s20], [sflag:$0x2] =	stream.indirect.gather [hbm4b:s17+s18], $0x80, s12, s18, $0xb8;
	[tilespmem:$0x11C00] =	vst v63  }
0x4e: {  	_ =	swait.ge [sflag:s21], $0x8800  }
0x4f: {  	s28 =	sshll.u32 s28, $0x4;
	[sflag:s21] =	ssyncset.done $0x0  }
0x50: {  	s28 =	sadd.s32 s0, s28;
	[sflag:s21] =	ssyncadd.s32 $0xFFFF7800  }
0x51: {  	[hbm4b:s28+s2] =	stream.linear.scatter [tilespmem:s19], [sflag:$0x3], $0x8800, $0x38;
	[tilespmem:$0x11C00] =	vst v63  }
0x52: {  	_ =	swait.ge [sflag:s3], $0x8800  }
0x53: {  	[sflag:s3] =	ssyncset.done $0x0  }
0x54: {  	[sflag:s3] =	ssyncadd.s32 $0xFFFF7800  }
0x55: {  	[tilespmem:s19], [sflag:$0x1] =	stream.indirect.gather [hbm4b:s17+s18], $0x80, s14, s18, $0xb8;
	[tilespmem:$0x11C00] =	vst v63  }
0x56: {  	_ =	swait.ge [sflag:s23], $0x8800  }
0x57: {  	s29 =	sshll.u32 s29, $0x4;
	[sflag:s23] =	ssyncset.done $0x0  }
0x58: {  	s29 =	sadd.s32 s0, s29;
	[sflag:s23] =	ssyncadd.s32 $0xFFFF7800  }
0x59: {  	[hbm4b:s29+s2] =	stream.linear.scatter [tilespmem:s20], [sflag:$0x3], $0x8800, $0x38;
	[tilespmem:$0x11C00] =	vst v63  }
0x5a: {  	_ =	swait.ge [sflag:s3], $0x8800  }
0x5b: {  	[sflag:s3] =	ssyncset.done $0x0  }
0x5c: {  	[sflag:s3] =	ssyncadd.s32 $0xFFFF7800  }
0x5d: {  	[tilespmem:s20], [sflag:$0x2] =	stream.indirect.gather [hbm4b:s17+s18], $0x80, s16, s18, $0xb8;
	[tilespmem:$0x11C00] =	vst v63  }
0x5e: {  	_ =	swait.ge [sflag:s21], $0x8800  }
0x5f: {  	s30 =	sshll.u32 s30, $0x4;
	[sflag:s21] =	ssyncset.done $0x0  }
0x60: {  	s1 =	ssub.s32 $0x2, s1;
	s30 =	sadd.s32 s0, s30;
	[sflag:s21] =	ssyncadd.s32 $0xFFFF7800  }
0x61: {  	[hbm4b:s30+s2] =	stream.linear.scatter [tilespmem:s19], [sflag:$0x3], $0x8800, $0x38;
	[tilespmem:$0x11C00] =	vst v63  }
0x62: {  	s31 =	sshrl.u32 s1, $0x1;
	_ =	swait.ge [sflag:s3], $0x8800  }
0x63: {  	s1 =	ssub.s32 s1, s31;
	[sflag:s3] =	ssyncset.done $0x0  }
0x64: {  	s1 =	smax.u32 s1, $0x1;
	[sflag:s3] =	ssyncadd.s32 $0xFFFF7800  }
0x65: {  	p0 =	sne.s32 s1, $0x1;
	_ =	swait.ge [sflag:s23], $0x8800  }
.Ltmp0:
0x66: {  	s31 =	rddreg [dreg:$0x5];
	(pc) =	sbr.rel @!p0 .LBB2_2-.Ltmp0, $4  }
0x67: {  	[sflag:s23] =	ssyncset.done $0x0;
	s31 =	sshll.u32 s31, $0x4  }
0x68: {  	[sflag:s23] =	ssyncadd.s32 $0xFFFF7800;
	s31 =	sadd.s32 s0, s31  }
0x69: {  	[hbm4b:s31+s2] =	stream.linear.scatter [tilespmem:s20], [sflag:$0x3], $0x8800, $0x38;
	[tilespmem:$0x11C00] =	vst v63  }
0x6a: {  	s1 =	sadd.s32 $0xFFFFFFFF, s1;
	_ =	swait.ge [sflag:s3], $0x8800  }
.LBB2_1:
0x6b: {  	[sflag:s3] =	ssyncset.done $0x0  }
0x6c: {  	s0 =	rddreg [dreg:$0x3];
	[sflag:s3] =	ssyncadd.s32 $0xFFFF7800  }
0x6d: {  	[tilespmem:s2], [sflag:$0x3] =	stream.linear.gather [hbm4b:s0+s2], $0x110, $0x38;
	[tilespmem:$0x11C00] =	vst v63  }
0x6e: {  	_ =	swait.ge [sflag:s3], $0x110  }
0x6f: {  	[sflag:s3] =	ssyncset.done $0x0  }
0x70: {  	s0 =	rddreg [dreg:$0x4];
	[sflag:s3] =	ssyncadd.s32 $0xFFFFFEF0  }
0x71: {  	[tilespmem:s4], [sflag:$0x3] =	stream.linear.gather [hbm4b:s0+s2], $0x110, $0x38;
	[tilespmem:$0x11C00] =	vst v63  }
0x72: {  	_ =	swait.ge [sflag:s3], $0x110  }
0x73: {  	[sflag:s3] =	ssyncset.done $0x0  }
0x74: {  	[sflag:s3] =	ssyncadd.s32 $0xFFFFFEF0  }
0x75: {  	[tilespmem:s6], [sflag:$0x3] =	stream.linear.gather [hbm4b:s5+s2], $0x110, $0x38;
	[tilespmem:$0x11C00] =	vst v63  }
0x76: {  	_ =	swait.ge [sflag:s3], $0x110  }
0x77: {  	[sflag:s3] =	ssyncset.done $0x0  }
0x78: {  	[sflag:s3] =	ssyncadd.s32 $0xFFFFFEF0  }
0x79: {  	[tilespmem:s8], [sflag:$0x3] =	stream.linear.gather [hbm4b:s7+s2], $0x110, $0x38;
	[tilespmem:$0x11C00] =	vst v63  }
0x7a: {  	_ =	swait.ge [sflag:s3], $0x110  }
0x7b: {  	[sflag:s3] =	ssyncset.done $0x0  }
0x7c: {  	[sflag:s3] =	ssyncadd.s32 $0xFFFFFEF0  }
0x7d: {  	[tilespmem:s10], [sflag:$0x3] =	stream.linear.gather [hbm4b:s9+s2], $0x110, $0x38;
	[tilespmem:$0x11C00] =	vst v63  }
0x7e: {  	_ =	swait.ge [sflag:s3], $0x110  }
0x7f: {  	[sflag:s3] =	ssyncset.done $0x0  }
0x80: {  	[sflag:s3] =	ssyncadd.s32 $0xFFFFFEF0  }
0x81: {  	[tilespmem:s12], [sflag:$0x3] =	stream.linear.gather [hbm4b:s11+s2], $0x110, $0x38;
	[tilespmem:$0x11C00] =	vst v63  }
0x82: {  	_ =	swait.ge [sflag:s3], $0x110  }
0x83: {  	[sflag:s3] =	ssyncset.done $0x0  }
0x84: {  	[sflag:s3] =	ssyncadd.s32 $0xFFFFFEF0  }
0x85: {  	[tilespmem:s14], [sflag:$0x3] =	stream.linear.gather [hbm4b:s13+s2], $0x110, $0x38;
	[tilespmem:$0x11C00] =	vst v63  }
0x86: {  	_ =	swait.ge [sflag:s3], $0x110  }
0x87: {  	[sflag:s3] =	ssyncset.done $0x0  }
0x88: {  	[sflag:s3] =	ssyncadd.s32 $0xFFFFFEF0  }
0x89: {  	[tilespmem:s16], [sflag:$0x3] =	stream.linear.gather [hbm4b:s15+s2], $0x110, $0x38;
	[tilespmem:$0x11C00] =	vst v63  }
0x8a: {  	_ =	swait.ge [sflag:s3], $0x110  }
0x8b: {  	[sflag:s3] =	ssyncset.done $0x0  }
0x8c: {  	[sflag:s3] =	ssyncadd.s32 $0xFFFFFEF0  }
0x8d: {  	[tilespmem:s19], [sflag:$0x1] =	stream.indirect.gather [hbm4b:s17+s18], $0x80, s2, s18, $0xb8;
	[tilespmem:$0x11C00] =	vst v63  }
0x8e: {  	_ = 	snop  }
0x8f: {  	[tilespmem:s20], [sflag:$0x2] =	stream.indirect.gather [hbm4b:s17+s18], $0x80, s4, s18, $0xb8;
	[tilespmem:$0x11C00] =	vst v63  }
0x90: {  	_ =	swait.ge [sflag:s21], $0x8800  }
0x91: {  	[sflag:s21] =	ssyncset.done $0x0  }
0x92: {  	[sflag:s21] =	ssyncadd.s32 $0xFFFF7800  }
0x93: {  	[hbm4b:s22+s2] =	stream.linear.scatter [tilespmem:s19], [sflag:$0x3], $0x8800, $0x38;
	[tilespmem:$0x11C00] =	vst v63  }
0x94: {  	_ =	swait.ge [sflag:s3], $0x8800  }
0x95: {  	[sflag:s3] =	ssyncset.done $0x0  }
0x96: {  	[sflag:s3] =	ssyncadd.s32 $0xFFFF7800  }
0x97: {  	[tilespmem:s19], [sflag:$0x1] =	stream.indirect.gather [hbm4b:s17+s18], $0x80, s6, s18, $0xb8;
	[tilespmem:$0x11C00] =	vst v63  }
0x98: {  	_ =	swait.ge [sflag:s23], $0x8800  }
0x99: {  	[sflag:s23] =	ssyncset.done $0x0  }
0x9a: {  	[sflag:s23] =	ssyncadd.s32 $0xFFFF7800  }
0x9b: {  	[hbm4b:s24+s2] =	stream.linear.scatter [tilespmem:s20], [sflag:$0x3], $0x8800, $0x38;
	[tilespmem:$0x11C00] =	vst v63  }
0x9c: {  	_ =	swait.ge [sflag:s3], $0x8800  }
0x9d: {  	[sflag:s3] =	ssyncset.done $0x0  }
0x9e: {  	[sflag:s3] =	ssyncadd.s32 $0xFFFF7800  }
0x9f: {  	[tilespmem:s20], [sflag:$0x2] =	stream.indirect.gather [hbm4b:s17+s18], $0x80, s8, s18, $0xb8;
	[tilespmem:$0x11C00] =	vst v63  }
0xa0: {  	_ =	swait.ge [sflag:s21], $0x8800  }
0xa1: {  	[sflag:s21] =	ssyncset.done $0x0  }
0xa2: {  	[sflag:s21] =	ssyncadd.s32 $0xFFFF7800  }
0xa3: {  	[hbm4b:s25+s2] =	stream.linear.scatter [tilespmem:s19], [sflag:$0x3], $0x8800, $0x38;
	[tilespmem:$0x11C00] =	vst v63  }
0xa4: {  	_ =	swait.ge [sflag:s3], $0x8800  }
0xa5: {  	[sflag:s3] =	ssyncset.done $0x0  }
0xa6: {  	[sflag:s3] =	ssyncadd.s32 $0xFFFF7800  }
0xa7: {  	[tilespmem:s19], [sflag:$0x1] =	stream.indirect.gather [hbm4b:s17+s18], $0x80, s10, s18, $0xb8;
	[tilespmem:$0x11C00] =	vst v63  }
0xa8: {  	_ =	swait.ge [sflag:s23], $0x8800  }
0xa9: {  	[sflag:s23] =	ssyncset.done $0x0  }
0xaa: {  	[sflag:s23] =	ssyncadd.s32 $0xFFFF7800  }
0xab: {  	[hbm4b:s26+s2] =	stream.linear.scatter [tilespmem:s20], [sflag:$0x3], $0x8800, $0x38;
	[tilespmem:$0x11C00] =	vst v63  }
0xac: {  	_ =	swait.ge [sflag:s3], $0x8800  }
0xad: {  	[sflag:s3] =	ssyncset.done $0x0  }
0xae: {  	[sflag:s3] =	ssyncadd.s32 $0xFFFF7800  }
0xaf: {  	[tilespmem:s20], [sflag:$0x2] =	stream.indirect.gather [hbm4b:s17+s18], $0x80, s12, s18, $0xb8;
	[tilespmem:$0x11C00] =	vst v63  }
0xb0: {  	_ =	swait.ge [sflag:s21], $0x8800  }
0xb1: {  	[sflag:s21] =	ssyncset.done $0x0  }
0xb2: {  	[sflag:s21] =	ssyncadd.s32 $0xFFFF7800  }
0xb3: {  	[hbm4b:s28+s2] =	stream.linear.scatter [tilespmem:s19], [sflag:$0x3], $0x8800, $0x38;
	[tilespmem:$0x11C00] =	vst v63  }
0xb4: {  	_ =	swait.ge [sflag:s3], $0x8800  }
0xb5: {  	[sflag:s3] =	ssyncset.done $0x0  }
0xb6: {  	[sflag:s3] =	ssyncadd.s32 $0xFFFF7800  }
0xb7: {  	[tilespmem:s19], [sflag:$0x1] =	stream.indirect.gather [hbm4b:s17+s18], $0x80, s14, s18, $0xb8;
	[tilespmem:$0x11C00] =	vst v63  }
0xb8: {  	_ =	swait.ge [sflag:s23], $0x8800  }
0xb9: {  	[sflag:s23] =	ssyncset.done $0x0  }
0xba: {  	[sflag:s23] =	ssyncadd.s32 $0xFFFF7800  }
0xbb: {  	[hbm4b:s29+s2] =	stream.linear.scatter [tilespmem:s20], [sflag:$0x3], $0x8800, $0x38;
	[tilespmem:$0x11C00] =	vst v63  }
0xbc: {  	_ =	swait.ge [sflag:s3], $0x8800  }
0xbd: {  	[sflag:s3] =	ssyncset.done $0x0  }
0xbe: {  	[sflag:s3] =	ssyncadd.s32 $0xFFFF7800  }
0xbf: {  	[tilespmem:s20], [sflag:$0x2] =	stream.indirect.gather [hbm4b:s17+s18], $0x80, s16, s18, $0xb8;
	[tilespmem:$0x11C00] =	vst v63  }
0xc0: {  	_ =	swait.ge [sflag:s21], $0x8800  }
0xc1: {  	[sflag:s21] =	ssyncset.done $0x0  }
0xc2: {  	[sflag:s21] =	ssyncadd.s32 $0xFFFF7800  }
0xc3: {  	[hbm4b:s30+s2] =	stream.linear.scatter [tilespmem:s19], [sflag:$0x3], $0x8800, $0x38;
	[tilespmem:$0x11C00] =	vst v63  }
0xc4: {  	_ =	swait.ge [sflag:s3], $0x8800  }
0xc5: {  	[sflag:s3] =	ssyncset.done $0x0  }
0xc6: {  	p0 =	sne.s32 s1, $0x1;
	[sflag:s3] =	ssyncadd.s32 $0xFFFF7800  }
.Ltmp1:
0xc7: {  	_ =	swait.ge [sflag:s23], $0x8800;
	(pc) =	sbr.rel @p0 .LBB2_1-.Ltmp1, $4  }
0xc8: {  	[sflag:s23] =	ssyncset.done $0x0  }
0xc9: {  	[sflag:s23] =	ssyncadd.s32 $0xFFFF7800  }
0xca: {  	[hbm4b:s31+s2] =	stream.linear.scatter [tilespmem:s20], [sflag:$0x3], $0x8800, $0x38;
	[tilespmem:$0x11C00] =	vst v63  }
0xcb: {  	s1 =	sadd.s32 $0xFFFFFFFF, s1;
	_ =	swait.ge [sflag:s3], $0x8800  }
.LBB2_2:
0xcc: {  	[sflag:s3] =	ssyncset.done $0x0  }
0xcd: {  	[sflag:s3] =	ssyncadd.s32 $0xFFFF7800  }
0xce: {  	_ =	sfence.sel $0x180000  }
0xcf: {  	[bflag:$0x0] =	sbarrier.arrive $0xFFFF  }
0xd0: {  	_ =	strace $0x90000047  }
0xd1: {  	s0 =	stileid.u32;
	[bflag:$0x2] =	sbarrier.arrive $0xFFFF  }
0xd2: {  	p0 =	sne.s32 s0, $0x0;
	s0 =	rddreg [dreg:$0x2]  }
0xd3: {  	s0 =	sadd.s32 @!p0 $0x100000, s0  }
0xd4: {  	[sflag:s0] =	ssyncadd.tile.s32 @!p0 $0x1;
	_ =	shalt  }
.Lfunc_end2:
_tile_overlayer_lowered:
.L_overlay_start_2:
0xd5: {  	(tag) =	ssettag $0x2  }
0xd6: {  	s0 =	rddreg [dreg:$0x0];
	s2 =	stileid.u32  }
0xd7: {  	s1 =	rddreg [dreg:$0x1];
	p0 =	sne.s32 s2, $0x0  }
0xd8: {  	s3 =	rddreg [dreg:$0x2];
	[bflag:$0x3] =	sbarrier.arrive $0xFFFF;
	s2 =	simm.s32 @!p0 $0x1C03  }
0xd9: {  	[timem:s3], [sflag:s2] =	dma.local @!p0 [hbm:s0], s1  }
0xda: {  	s0 =	simm.s32 @!p0 $0x3  }
0xdb: {  	_ =	swait.ge @!p0 [sflag:s0], s1  }
0xdc: {  	s1 =	ssub.s32 @!p0 $0x0, s1;
	[sflag:s0] =	ssyncset.done @!p0 $0x0  }
0xdd: {  	[sflag:s0] =	ssyncadd.s32 @!p0 s1  }
0xde: {  	[bflag:$0x3] =	sbarrier.arrive $0xFFFF  }
0xdf: {  	_ =	shalt  }

</sc_bundles>
